<compile_context>
chip_gen: v7x
topology: tpu7x:2x2x1
jax: 0.10.2.dev20260603
libtpu: 0.0.44.dev20260713+nightly
codegen_flags: <defaults>
</compile_context>

<pallas_src>
import functools

import jax
import jax.numpy as jnp
from jax import lax
from jax.experimental import pallas as pl
from jax.experimental.pallas import tpu as pltpu
from jax.experimental.pallas import tpu_sc as plsc

N = 10000
D = 128
E = 320000

NC = 2
NS = 16

CHUNK = 128
NBUF = 2

CPP0 = 48
CPP1 = 32
CPPS = CPP0 + CPP1
NPH = 2
TOTAL_CHUNKS = NS * NPH * CPPS
E_PAD = TOTAL_CHUNKS * CHUNK

N_ACC = 10240
ROWS_PER_TILE = N_ACC // NS
LAST_START = 15 * ROWS_PER_TILE
LAST_ROWS = N - LAST_START


def _sc_partials(x, src_chunks, dst_chunks):
  mesh = plsc.VectorSubcoreMesh(core_axis_name="c", subcore_axis_name="s")

  @functools.partial(
      pl.kernel,
      out_type=jax.ShapeDtypeStruct((NC, N, D), jnp.float32),
      mesh=mesh,
      scratch_types=[
          pltpu.VMEM((CPP0, CHUNK), jnp.int32),
          pltpu.VMEM((CPP0, CHUNK), jnp.int32),
          pltpu.VMEM((NBUF, CHUNK, D), jnp.float32),
          pltpu.VMEM_SHARED((N_ACC, D), jnp.float32),
      ] + [pltpu.SemaphoreType.DMA] * (2 * NBUF),
  )
  def k(x_hbm, srcc_hbm, dstc_hbm, out_hbm, sidx_v, didx_v, rows_v, acc_sh,
        *sems):
    gsems = sems[:NBUF]
    ssems = sems[NBUF:]
    cid = lax.axis_index("c")
    sid = lax.axis_index("s")

    cpp = jnp.where(cid == 0, CPP0, CPP1)

    zbuf = rows_v.at[0]

    @pl.loop(0, CHUNK)
    def _(r):
      row = zbuf.at[r]
      for c in range(D // 16):
        row[pl.ds(c * 16, 16)] = jnp.zeros((16,), jnp.float32)

    acc_start = sid * ROWS_PER_TILE
    for z in range(ROWS_PER_TILE // CHUNK):
      pltpu.sync_copy(zbuf, acc_sh.at[pl.ds(acc_start + z * CHUNK, CHUNK)])

    plsc.subcore_barrier()

    @pl.loop(0, NPH)
    def _(p):
      pbase = ((p * NS) + sid) * CPPS + jnp.where(cid == 0, 0, CPP0)

      @pl.when(cid == 0)
      def _():
        pltpu.sync_copy(srcc_hbm.at[pl.ds(pbase, CPP0)], sidx_v)
        pltpu.sync_copy(dstc_hbm.at[pl.ds(pbase, CPP0)], didx_v)

      @pl.when(cid != 0)
      def _():
        pltpu.sync_copy(srcc_hbm.at[pl.ds(pbase, CPP1)],
                        sidx_v.at[pl.ds(0, CPP1)])
        pltpu.sync_copy(dstc_hbm.at[pl.ds(pbase, CPP1)],
                        didx_v.at[pl.ds(0, CPP1)])

      for b in range(NBUF):
        pltpu.async_copy(x_hbm.at[sidx_v.at[b]], rows_v.at[b], gsems[b])

      @pl.loop(0, cpp - NBUF, step=NBUF)
      def _(j0):
        for b in range(NBUF):
          j = j0 + b
          pltpu.make_async_copy(x_hbm.at[sidx_v.at[j]], rows_v.at[b],
                                gsems[b]).wait()
          sd = pltpu.async_copy(rows_v.at[b], acc_sh.at[didx_v.at[j]],
                                ssems[b], add=True)
          sd.wait()
          pltpu.async_copy(x_hbm.at[sidx_v.at[j + NBUF]], rows_v.at[b],
                           gsems[b])

      tail = []
      for b in range(NBUF):
        j = cpp - NBUF + b
        pltpu.make_async_copy(x_hbm.at[sidx_v.at[j]], rows_v.at[b],
                              gsems[b]).wait()
        tail.append(pltpu.async_copy(rows_v.at[b], acc_sh.at[didx_v.at[j]],
                                     ssems[b], add=True))
      for sd in tail:
        sd.wait()

    plsc.subcore_barrier()

    @pl.when(sid < NS - 1)
    def _():
      pltpu.sync_copy(acc_sh.at[pl.ds(acc_start, ROWS_PER_TILE)],
                      out_hbm.at[cid, pl.ds(acc_start, ROWS_PER_TILE)])

    @pl.when(sid == NS - 1)
    def _():
      pltpu.sync_copy(acc_sh.at[pl.ds(LAST_START, LAST_ROWS)],
                      out_hbm.at[cid, pl.ds(LAST_START, LAST_ROWS)])

  return k(x, src_chunks, dst_chunks)


def _add_kernel(a_ref, b_ref, o_ref):
  o_ref[...] = a_ref[...] + b_ref[...]


def _combine(p0, p1):
  blk = 1000
  return pl.pallas_call(
      _add_kernel,
      out_shape=jax.ShapeDtypeStruct((N, D), jnp.float32),
      grid=(N // blk,),
      in_specs=[
          pl.BlockSpec((blk, D), lambda i: (i, 0)),
          pl.BlockSpec((blk, D), lambda i: (i, 0)),
      ],
      out_specs=pl.BlockSpec((blk, D), lambda i: (i, 0)),
  )(p0, p1)


@jax.jit
def kernel(x, edge_index):
  src = edge_index[0]
  dst = edge_index[1]
  pad = E_PAD - E
  pad_dst = N + (jnp.arange(pad, dtype=jnp.int32) % (N_ACC - N))
  src_p = jnp.concatenate([src, jnp.zeros((pad,), jnp.int32)])
  dst_p = jnp.concatenate([dst, pad_dst])
  src_chunks = src_p.reshape(TOTAL_CHUNKS, CHUNK)
  dst_chunks = dst_p.reshape(TOTAL_CHUNKS, CHUNK)
  partials = _sc_partials(x, src_chunks, dst_chunks)
  return _combine(partials[0], partials[1])

# --- scband reference (transcript-rebuilt; emitter-appended) ---
"""Pipeline reference for scband-message-passing-84215718740469 (READ-ONLY COPY).

The authoritative reference and input builder live on the scoring server;
editing this copy changes nothing except your own understanding.
"""

import jax, jax.numpy as jnp
import numpy as np

N_NODES = 10000
D_FEAT = 128
N_EDGES = 320000

def setup_inputs(seed: int = 0) -> dict:
    key = jax.random.key(seed)
    kx, ke = jax.random.split(key)
    x = jax.random.normal(kx, (N_NODES, D_FEAT), dtype=jnp.float32)
    edge_index = jax.random.randint(ke, (2, N_EDGES), 0, N_NODES, dtype=jnp.int32)
    return {"x": x, "edge_index": edge_index}

def reference(x, edge_index):
    # MessagePassing with aggr='add', flow='source_to_target':
    # message(x_j) = x_j  (gather source node features per edge)
    # aggregate    = scatter-add into destination nodes (index = edge_index[1])
    # update       = identity
    src = edge_index[0]
    dst = edge_index[1]
    msgs = jnp.take(x, src, axis=0)                      # gather: [E, d]
    out = jax.ops.segment_sum(msgs, dst, num_segments=x.shape[0])  # scatter-add: [N, d]
    return out

if __name__ == "__main__":
    import jax
    _d = setup_inputs()
    print(jax.jit(kernel)(*tuple(_d.values())))

</pallas_src>

<mosaic_0001>
#map = affine_map<(d0, d1) -> (0, 0)>
#map1 = affine_map<(d0, d1) -> (0, 0, 0)>
module attributes {stable_mosaic.version = 14 : i64} {
  func.func @k(%arg0: i32, %arg1: i32, %arg2: memref<10000x128xf32, #tpu.memory_space<hbm>>, %arg3: memref<2560x128xi32, #tpu.memory_space<hbm>>, %arg4: memref<2560x128xi32, #tpu.memory_space<hbm>>, %arg5: memref<2x10000x128xf32, #tpu.memory_space<hbm>>, %arg6: memref<48x128xi32, #tpu.memory_space<vmem>>, %arg7: memref<48x128xi32, #tpu.memory_space<vmem>>, %arg8: memref<2x128x128xf32, #tpu.memory_space<vmem>>, %arg9: memref<10240x128xf32, #tpu.memory_space<vmem_shared>>, %arg10: memref<!tpu.dma_semaphore, #tpu.memory_space<semaphore_mem>>, %arg11: memref<!tpu.dma_semaphore, #tpu.memory_space<semaphore_mem>>, %arg12: memref<!tpu.dma_semaphore, #tpu.memory_space<semaphore_mem>>, %arg13: memref<!tpu.dma_semaphore, #tpu.memory_space<semaphore_mem>>) attributes {dimension_semantics = [#tpu.dimension_semantics<core_parallel>, #tpu.dimension_semantics<subcore_parallel>], iteration_bounds = array<i64: 2, 16>, scalar_prefetch = 0 : i64, scratch_operands = 8 : i64, tpu.core_type = #tpu.core_type<sc_vector_subcore>, window_params = [{transform_indices = #map}, {transform_indices = #map}, {transform_indices = #map}, {transform_indices = #map1}]} {
    %eq3A = arith.constant 0 : i32
    %eq3A_0 = arith.cmpi eq, %arg0, %eq3A : i32
    %jit3A = arith.constant 48 : i32
    %jit3A_1 = arith.constant 32 : i32
    %select_n3A = arith.select %eq3A_0, %jit3A, %jit3A_1 : i32
    %scan3A = arith.constant 0 : i32
    %scan3A_2 = arith.constant 0 : i32
    %scan3A_3 = arith.constant 128 : i32
    %scan3A_4 = arith.addi %scan3A_2, %scan3A_3 : i32
    %scan3A_5 = arith.constant 1 : i32
    scf.for %scan3A_34 = %scan3A_2 to %scan3A_4 step %scan3A_5  : i32 {
      %mul3A_35 = arith.constant 1 : i32
      %mul3A_36 = arith.muli %scan3A_34, %mul3A_35 : i32
      %add3A_37 = arith.constant 0 : i32
      %add3A_38 = arith.addi %add3A_37, %mul3A_36 : i32
      %broadcast_in_dim3A = arith.constant 0.000000e+00 : f32
      %broadcast_in_dim3A_39 = vector.broadcast %broadcast_in_dim3A : f32 to vector<16xf32>
      %swap3A = arith.constant 0 : i32
      %swap3A_40 = arith.constant 0 : i32
      %swap3A_41 = tpu.memref_slice %arg8[%scan3A, %swap3A, %swap3A_40] : memref<2x128x128xf32, #tpu.memory_space<vmem>> -> memref<1x128x128xf32, #tpu.memory_space<vmem>>
      %swap3A_42 = tpu.memref_squeeze %swap3A_41 : memref<1x128x128xf32, #tpu.memory_space<vmem>> -> memref<128x128xf32, #tpu.memory_space<vmem>>
      %swap3A_43 = arith.constant 0 : i32
      %swap3A_44 = tpu.memref_slice %swap3A_42[%add3A_38, %swap3A_43] : memref<128x128xf32, #tpu.memory_space<vmem>> -> memref<1x128xf32, #tpu.memory_space<vmem>>
      %swap3A_45 = tpu.memref_squeeze %swap3A_44 : memref<1x128xf32, #tpu.memory_space<vmem>> -> memref<128xf32, #tpu.memory_space<vmem>>
      %swap3A_46 = arith.constant 0 : index
      %swap3A_47 = tpu.vector_load %swap3A_45[%swap3A_46] {strides = array<i32>} : memref<128xf32, #tpu.memory_space<vmem>>, vector<16xf32>,
      %swap3A_48 = vector.shape_cast %swap3A_47 : vector<16xf32> to vector<16xf32>
      %swap3A_49 = vector.shape_cast %broadcast_in_dim3A_39 : vector<16xf32> to vector<16xf32>
      tpu.vector_store %swap3A_45[%swap3A_46], %swap3A_49 {strides = array<i32>} : memref<128xf32, #tpu.memory_space<vmem>>, vector<16xf32>,
      %broadcast_in_dim3A_50 = arith.constant 0.000000e+00 : f32
      %broadcast_in_dim3A_51 = vector.broadcast %broadcast_in_dim3A_50 : f32 to vector<16xf32>
      %swap3A_52 = arith.constant 0 : i32
      %swap3A_53 = arith.constant 0 : i32
      %swap3A_54 = tpu.memref_slice %arg8[%scan3A, %swap3A_52, %swap3A_53] : memref<2x128x128xf32, #tpu.memory_space<vmem>> -> memref<1x128x128xf32, #tpu.memory_space<vmem>>
      %swap3A_55 = tpu.memref_squeeze %swap3A_54 : memref<1x128x128xf32, #tpu.memory_space<vmem>> -> memref<128x128xf32, #tpu.memory_space<vmem>>
      %swap3A_56 = arith.constant 0 : i32
      %swap3A_57 = tpu.memref_slice %swap3A_55[%add3A_38, %swap3A_56] : memref<128x128xf32, #tpu.memory_space<vmem>> -> memref<1x128xf32, #tpu.memory_space<vmem>>
      %swap3A_58 = tpu.memref_squeeze %swap3A_57 : memref<1x128xf32, #tpu.memory_space<vmem>> -> memref<128xf32, #tpu.memory_space<vmem>>
      %swap3A_59 = arith.constant 16 : index
      %swap3A_60 = tpu.vector_load %swap3A_58[%swap3A_59] {strides = array<i32>} : memref<128xf32, #tpu.memory_space<vmem>>, vector<16xf32>,
      %swap3A_61 = vector.shape_cast %swap3A_60 : vector<16xf32> to vector<16xf32>
      %swap3A_62 = vector.shape_cast %broadcast_in_dim3A_51 : vector<16xf32> to vector<16xf32>
      tpu.vector_store %swap3A_58[%swap3A_59], %swap3A_62 {strides = array<i32>} : memref<128xf32, #tpu.memory_space<vmem>>, vector<16xf32>,
      %broadcast_in_dim3A_63 = arith.constant 0.000000e+00 : f32
      %broadcast_in_dim3A_64 = vector.broadcast %broadcast_in_dim3A_63 : f32 to vector<16xf32>
      %swap3A_65 = arith.constant 0 : i32
      %swap3A_66 = arith.constant 0 : i32
      %swap3A_67 = tpu.memref_slice %arg8[%scan3A, %swap3A_65, %swap3A_66] : memref<2x128x128xf32, #tpu.memory_space<vmem>> -> memref<1x128x128xf32, #tpu.memory_space<vmem>>
      %swap3A_68 = tpu.memref_squeeze %swap3A_67 : memref<1x128x128xf32, #tpu.memory_space<vmem>> -> memref<128x128xf32, #tpu.memory_space<vmem>>
      %swap3A_69 = arith.constant 0 : i32
      %swap3A_70 = tpu.memref_slice %swap3A_68[%add3A_38, %swap3A_69] : memref<128x128xf32, #tpu.memory_space<vmem>> -> memref<1x128xf32, #tpu.memory_space<vmem>>
      %swap3A_71 = tpu.memref_squeeze %swap3A_70 : memref<1x128xf32, #tpu.memory_space<vmem>> -> memref<128xf32, #tpu.memory_space<vmem>>
      %swap3A_72 = arith.constant 32 : index
      %swap3A_73 = tpu.vector_load %swap3A_71[%swap3A_72] {strides = array<i32>} : memref<128xf32, #tpu.memory_space<vmem>>, vector<16xf32>,
      %swap3A_74 = vector.shape_cast %swap3A_73 : vector<16xf32> to vector<16xf32>
      %swap3A_75 = vector.shape_cast %broadcast_in_dim3A_64 : vector<16xf32> to vector<16xf32>
      tpu.vector_store %swap3A_71[%swap3A_72], %swap3A_75 {strides = array<i32>} : memref<128xf32, #tpu.memory_space<vmem>>, vector<16xf32>,
      %broadcast_in_dim3A_76 = arith.constant 0.000000e+00 : f32
      %broadcast_in_dim3A_77 = vector.broadcast %broadcast_in_dim3A_76 : f32 to vector<16xf32>
      %swap3A_78 = arith.constant 0 : i32
      %swap3A_79 = arith.constant 0 : i32
      %swap3A_80 = tpu.memref_slice %arg8[%scan3A, %swap3A_78, %swap3A_79] : memref<2x128x128xf32, #tpu.memory_space<vmem>> -> memref<1x128x128xf32, #tpu.memory_space<vmem>>
      %swap3A_81 = tpu.memref_squeeze %swap3A_80 : memref<1x128x128xf32, #tpu.memory_space<vmem>> -> memref<128x128xf32, #tpu.memory_space<vmem>>
      %swap3A_82 = arith.constant 0 : i32
      %swap3A_83 = tpu.memref_slice %swap3A_81[%add3A_38, %swap3A_82] : memref<128x128xf32, #tpu.memory_space<vmem>> -> memref<1x128xf32, #tpu.memory_space<vmem>>
      %swap3A_84 = tpu.memref_squeeze %swap3A_83 : memref<1x128xf32, #tpu.memory_space<vmem>> -> memref<128xf32, #tpu.memory_space<vmem>>
      %swap3A_85 = arith.constant 48 : index
      %swap3A_86 = tpu.vector_load %swap3A_84[%swap3A_85] {strides = array<i32>} : memref<128xf32, #tpu.memory_space<vmem>>, vector<16xf32>,
      %swap3A_87 = vector.shape_cast %swap3A_86 : vector<16xf32> to vector<16xf32>
      %swap3A_88 = vector.shape_cast %broadcast_in_dim3A_77 : vector<16xf32> to vector<16xf32>
      tpu.vector_store %swap3A_84[%swap3A_85], %swap3A_88 {strides = array<i32>} : memref<128xf32, #tpu.memory_space<vmem>>, vector<16xf32>,
      %broadcast_in_dim3A_89 = arith.constant 0.000000e+00 : f32
      %broadcast_in_dim3A_90 = vector.broadcast %broadcast_in_dim3A_89 : f32 to vector<16xf32>
      %swap3A_91 = arith.constant 0 : i32
      %swap3A_92 = arith.constant 0 : i32
      %swap3A_93 = tpu.memref_slice %arg8[%scan3A, %swap3A_91, %swap3A_92] : memref<2x128x128xf32, #tpu.memory_space<vmem>> -> memref<1x128x128xf32, #tpu.memory_space<vmem>>
      %swap3A_94 = tpu.memref_squeeze %swap3A_93 : memref<1x128x128xf32, #tpu.memory_space<vmem>> -> memref<128x128xf32, #tpu.memory_space<vmem>>
      %swap3A_95 = arith.constant 0 : i32
      %swap3A_96 = tpu.memref_slice %swap3A_94[%add3A_38, %swap3A_95] : memref<128x128xf32, #tpu.memory_space<vmem>> -> memref<1x128xf32, #tpu.memory_space<vmem>>
      %swap3A_97 = tpu.memref_squeeze %swap3A_96 : memref<1x128xf32, #tpu.memory_space<vmem>> -> memref<128xf32, #tpu.memory_space<vmem>>
      %swap3A_98 = arith.constant 64 : index
      %swap3A_99 = tpu.vector_load %swap3A_97[%swap3A_98] {strides = array<i32>} : memref<128xf32, #tpu.memory_space<vmem>>, vector<16xf32>,
      %swap3A_100 = vector.shape_cast %swap3A_99 : vector<16xf32> to vector<16xf32>
      %swap3A_101 = vector.shape_cast %broadcast_in_dim3A_90 : vector<16xf32> to vector<16xf32>
      tpu.vector_store %swap3A_97[%swap3A_98], %swap3A_101 {strides = array<i32>} : memref<128xf32, #tpu.memory_space<vmem>>, vector<16xf32>,
      %broadcast_in_dim3A_102 = arith.constant 0.000000e+00 : f32
      %broadcast_in_dim3A_103 = vector.broadcast %broadcast_in_dim3A_102 : f32 to vector<16xf32>
      %swap3A_104 = arith.constant 0 : i32
      %swap3A_105 = arith.constant 0 : i32
      %swap3A_106 = tpu.memref_slice %arg8[%scan3A, %swap3A_104, %swap3A_105] : memref<2x128x128xf32, #tpu.memory_space<vmem>> -> memref<1x128x128xf32, #tpu.memory_space<vmem>>
      %swap3A_107 = tpu.memref_squeeze %swap3A_106 : memref<1x128x128xf32, #tpu.memory_space<vmem>> -> memref<128x128xf32, #tpu.memory_space<vmem>>
      %swap3A_108 = arith.constant 0 : i32
      %swap3A_109 = tpu.memref_slice %swap3A_107[%add3A_38, %swap3A_108] : memref<128x128xf32, #tpu.memory_space<vmem>> -> memref<1x128xf32, #tpu.memory_space<vmem>>
      %swap3A_110 = tpu.memref_squeeze %swap3A_109 : memref<1x128xf32, #tpu.memory_space<vmem>> -> memref<128xf32, #tpu.memory_space<vmem>>
      %swap3A_111 = arith.constant 80 : index
      %swap3A_112 = tpu.vector_load %swap3A_110[%swap3A_111] {strides = array<i32>} : memref<128xf32, #tpu.memory_space<vmem>>, vector<16xf32>,
      %swap3A_113 = vector.shape_cast %swap3A_112 : vector<16xf32> to vector<16xf32>
      %swap3A_114 = vector.shape_cast %broadcast_in_dim3A_103 : vector<16xf32> to vector<16xf32>
      tpu.vector_store %swap3A_110[%swap3A_111], %swap3A_114 {strides = array<i32>} : memref<128xf32, #tpu.memory_space<vmem>>, vector<16xf32>,
      %broadcast_in_dim3A_115 = arith.constant 0.000000e+00 : f32
      %broadcast_in_dim3A_116 = vector.broadcast %broadcast_in_dim3A_115 : f32 to vector<16xf32>
      %swap3A_117 = arith.constant 0 : i32
      %swap3A_118 = arith.constant 0 : i32
      %swap3A_119 = tpu.memref_slice %arg8[%scan3A, %swap3A_117, %swap3A_118] : memref<2x128x128xf32, #tpu.memory_space<vmem>> -> memref<1x128x128xf32, #tpu.memory_space<vmem>>
      %swap3A_120 = tpu.memref_squeeze %swap3A_119 : memref<1x128x128xf32, #tpu.memory_space<vmem>> -> memref<128x128xf32, #tpu.memory_space<vmem>>
      %swap3A_121 = arith.constant 0 : i32
      %swap3A_122 = tpu.memref_slice %swap3A_120[%add3A_38, %swap3A_121] : memref<128x128xf32, #tpu.memory_space<vmem>> -> memref<1x128xf32, #tpu.memory_space<vmem>>
      %swap3A_123 = tpu.memref_squeeze %swap3A_122 : memref<1x128xf32, #tpu.memory_space<vmem>> -> memref<128xf32, #tpu.memory_space<vmem>>
      %swap3A_124 = arith.constant 96 : index
      %swap3A_125 = tpu.vector_load %swap3A_123[%swap3A_124] {strides = array<i32>} : memref<128xf32, #tpu.memory_space<vmem>>, vector<16xf32>,
      %swap3A_126 = vector.shape_cast %swap3A_125 : vector<16xf32> to vector<16xf32>
      %swap3A_127 = vector.shape_cast %broadcast_in_dim3A_116 : vector<16xf32> to vector<16xf32>
      tpu.vector_store %swap3A_123[%swap3A_124], %swap3A_127 {strides = array<i32>} : memref<128xf32, #tpu.memory_space<vmem>>, vector<16xf32>,
      %broadcast_in_dim3A_128 = arith.constant 0.000000e+00 : f32
      %broadcast_in_dim3A_129 = vector.broadcast %broadcast_in_dim3A_128 : f32 to vector<16xf32>
      %swap3A_130 = arith.constant 0 : i32
      %swap3A_131 = arith.constant 0 : i32
      %swap3A_132 = tpu.memref_slice %arg8[%scan3A, %swap3A_130, %swap3A_131] : memref<2x128x128xf32, #tpu.memory_space<vmem>> -> memref<1x128x128xf32, #tpu.memory_space<vmem>>
      %swap3A_133 = tpu.memref_squeeze %swap3A_132 : memref<1x128x128xf32, #tpu.memory_space<vmem>> -> memref<128x128xf32, #tpu.memory_space<vmem>>
      %swap3A_134 = arith.constant 0 : i32
      %swap3A_135 = tpu.memref_slice %swap3A_133[%add3A_38, %swap3A_134] : memref<128x128xf32, #tpu.memory_space<vmem>> -> memref<1x128xf32, #tpu.memory_space<vmem>>
      %swap3A_136 = tpu.memref_squeeze %swap3A_135 : memref<1x128xf32, #tpu.memory_space<vmem>> -> memref<128xf32, #tpu.memory_space<vmem>>
      %swap3A_137 = arith.constant 112 : index
      %swap3A_138 = tpu.vector_load %swap3A_136[%swap3A_137] {strides = array<i32>} : memref<128xf32, #tpu.memory_space<vmem>>, vector<16xf32>,
      %swap3A_139 = vector.shape_cast %swap3A_138 : vector<16xf32> to vector<16xf32>
      %swap3A_140 = vector.shape_cast %broadcast_in_dim3A_129 : vector<16xf32> to vector<16xf32>
      tpu.vector_store %swap3A_136[%swap3A_137], %swap3A_140 {strides = array<i32>} : memref<128xf32, #tpu.memory_space<vmem>>, vector<16xf32>,
    }
    %scan3A_6 = arith.constant 128 : i32
    %mul3A = arith.constant 640 : i32
    %mul3A_7 = arith.muli %arg1, %mul3A : i32
    %add3A = arith.constant 0 : i32
    %add3A_8 = arith.addi %mul3A_7, %add3A : i32
    %run_scoped3A = arith.constant 0 : i32
    "tpu.region"() ({
      %run_scoped3A_34 = tpu.sem_alloc : memref<!tpu.dma_semaphore, #tpu.memory_space<semaphore_mem>>
      %dma_start3A = arith.constant 0 : i32
      %dma_start3A_35 = arith.constant 0 : i32
      %dma_start3A_36 = tpu.memref_slice %arg8[%run_scoped3A, %dma_start3A, %dma_start3A_35] : memref<2x128x128xf32, #tpu.memory_space<vmem>> -> memref<1x128x128xf32, #tpu.memory_space<vmem>>
      %dma_start3A_37 = tpu.memref_squeeze %dma_start3A_36 : memref<1x128x128xf32, #tpu.memory_space<vmem>> -> memref<128x128xf32, #tpu.memory_space<vmem>>
      %dma_start3A_38 = arith.constant 0 : i32
      %dma_start3A_39 = tpu.memref_slice %arg9[%add3A_8, %dma_start3A_38] : memref<10240x128xf32, #tpu.memory_space<vmem_shared>> -> memref<128x128xf32, #tpu.memory_space<vmem_shared>>
      %dma_start3A_40 = arith.constant 0 : i32
      %dma_start3A_41 = tpu.memref_slice %arg9[%add3A_8, %dma_start3A_40] : memref<10240x128xf32, #tpu.memory_space<vmem_shared>> -> memref<128x128xf32, #tpu.memory_space<vmem_shared>>
      %dma_start3A_42 = arith.constant 0 : i32
      %dma_start3A_43 = arith.constant 0 : i32
      %dma_start3A_44 = tpu.memref_slice %arg8[%run_scoped3A, %dma_start3A_42, %dma_start3A_43] : memref<2x128x128xf32, #tpu.memory_space<vmem>> -> memref<1x128x128xf32, #tpu.memory_space<vmem>>
      %dma_start3A_45 = tpu.memref_squeeze %dma_start3A_44 : memref<1x128x128xf32, #tpu.memory_space<vmem>> -> memref<128x128xf32, #tpu.memory_space<vmem>>
      tpu.enqueue_dma source(%dma_start3A_45 : memref<128x128xf32, #tpu.memory_space<vmem>>) target(%dma_start3A_41 : memref<128x128xf32, #tpu.memory_space<vmem_shared>>) target_semaphore(%run_scoped3A_34 : memref<!tpu.dma_semaphore, #tpu.memory_space<semaphore_mem>>)
      %dma_wait3A = arith.constant 0 : i32
      %dma_wait3A_46 = arith.constant 0 : i32
      %dma_wait3A_47 = tpu.memref_slice %arg8[%run_scoped3A, %dma_wait3A, %dma_wait3A_46] : memref<2x128x128xf32, #tpu.memory_space<vmem>> -> memref<1x128x128xf32, #tpu.memory_space<vmem>>
      %dma_wait3A_48 = tpu.memref_squeeze %dma_wait3A_47 : memref<1x128x128xf32, #tpu.memory_space<vmem>> -> memref<128x128xf32, #tpu.memory_space<vmem>>
      %dma_wait3A_49 = arith.constant 0 : i32
      %dma_wait3A_50 = tpu.memref_slice %arg9[%add3A_8, %dma_wait3A_49] : memref<10240x128xf32, #tpu.memory_space<vmem_shared>> -> memref<128x128xf32, #tpu.memory_space<vmem_shared>>
      %dma_wait3A_51 = arith.constant 0 : i32
      %dma_wait3A_52 = tpu.memref_slice %arg9[%add3A_8, %dma_wait3A_51] : memref<10240x128xf32, #tpu.memory_space<vmem_shared>> -> memref<128x128xf32, #tpu.memory_space<vmem_shared>>
      %dma_wait3A_53 = arith.constant 0 : i32
      %dma_wait3A_54 = arith.constant 0 : i32
      %dma_wait3A_55 = tpu.memref_slice %arg8[%run_scoped3A, %dma_wait3A_53, %dma_wait3A_54] : memref<2x128x128xf32, #tpu.memory_space<vmem>> -> memref<1x128x128xf32, #tpu.memory_space<vmem>>
      %dma_wait3A_56 = tpu.memref_squeeze %dma_wait3A_55 : memref<1x128x128xf32, #tpu.memory_space<vmem>> -> memref<128x128xf32, #tpu.memory_space<vmem>>
      tpu.wait_dma2 semaphore(%run_scoped3A_34 : memref<!tpu.dma_semaphore, #tpu.memory_space<semaphore_mem>>) src(%dma_wait3A_56 : memref<128x128xf32, #tpu.memory_space<vmem>>) dst(%dma_wait3A_52 : memref<128x128xf32, #tpu.memory_space<vmem_shared>>)
      tpu.yield
    }) : () -> ()
    %add3A_9 = arith.constant 128 : i32
    %add3A_10 = arith.addi %mul3A_7, %add3A_9 : i32
    %run_scoped3A_11 = arith.constant 0 : i32
    "tpu.region"() ({
      %run_scoped3A_34 = tpu.sem_alloc : memref<!tpu.dma_semaphore, #tpu.memory_space<semaphore_mem>>
      %dma_start3A = arith.constant 0 : i32
      %dma_start3A_35 = arith.constant 0 : i32
      %dma_start3A_36 = tpu.memref_slice %arg8[%run_scoped3A_11, %dma_start3A, %dma_start3A_35] : memref<2x128x128xf32, #tpu.memory_space<vmem>> -> memref<1x128x128xf32, #tpu.memory_space<vmem>>
      %dma_start3A_37 = tpu.memref_squeeze %dma_start3A_36 : memref<1x128x128xf32, #tpu.memory_space<vmem>> -> memref<128x128xf32, #tpu.memory_space<vmem>>
      %dma_start3A_38 = arith.constant 0 : i32
      %dma_start3A_39 = tpu.memref_slice %arg9[%add3A_10, %dma_start3A_38] : memref<10240x128xf32, #tpu.memory_space<vmem_shared>> -> memref<128x128xf32, #tpu.memory_space<vmem_shared>>
      %dma_start3A_40 = arith.constant 0 : i32
      %dma_start3A_41 = tpu.memref_slice %arg9[%add3A_10, %dma_start3A_40] : memref<10240x128xf32, #tpu.memory_space<vmem_shared>> -> memref<128x128xf32, #tpu.memory_space<vmem_shared>>
      %dma_start3A_42 = arith.constant 0 : i32
      %dma_start3A_43 = arith.constant 0 : i32
      %dma_start3A_44 = tpu.memref_slice %arg8[%run_scoped3A_11, %dma_start3A_42, %dma_start3A_43] : memref<2x128x128xf32, #tpu.memory_space<vmem>> -> memref<1x128x128xf32, #tpu.memory_space<vmem>>
      %dma_start3A_45 = tpu.memref_squeeze %dma_start3A_44 : memref<1x128x128xf32, #tpu.memory_space<vmem>> -> memref<128x128xf32, #tpu.memory_space<vmem>>
      tpu.enqueue_dma source(%dma_start3A_45 : memref<128x128xf32, #tpu.memory_space<vmem>>) target(%dma_start3A_41 : memref<128x128xf32, #tpu.memory_space<vmem_shared>>) target_semaphore(%run_scoped3A_34 : memref<!tpu.dma_semaphore, #tpu.memory_space<semaphore_mem>>)
      %dma_wait3A = arith.constant 0 : i32
      %dma_wait3A_46 = arith.constant 0 : i32
      %dma_wait3A_47 = tpu.memref_slice %arg8[%run_scoped3A_11, %dma_wait3A, %dma_wait3A_46] : memref<2x128x128xf32, #tpu.memory_space<vmem>> -> memref<1x128x128xf32, #tpu.memory_space<vmem>>
      %dma_wait3A_48 = tpu.memref_squeeze %dma_wait3A_47 : memref<1x128x128xf32, #tpu.memory_space<vmem>> -> memref<128x128xf32, #tpu.memory_space<vmem>>
      %dma_wait3A_49 = arith.constant 0 : i32
      %dma_wait3A_50 = tpu.memref_slice %arg9[%add3A_10, %dma_wait3A_49] : memref<10240x128xf32, #tpu.memory_space<vmem_shared>> -> memref<128x128xf32, #tpu.memory_space<vmem_shared>>
      %dma_wait3A_51 = arith.constant 0 : i32
      %dma_wait3A_52 = tpu.memref_slice %arg9[%add3A_10, %dma_wait3A_51] : memref<10240x128xf32, #tpu.memory_space<vmem_shared>> -> memref<128x128xf32, #tpu.memory_space<vmem_shared>>
      %dma_wait3A_53 = arith.constant 0 : i32
      %dma_wait3A_54 = arith.constant 0 : i32
      %dma_wait3A_55 = tpu.memref_slice %arg8[%run_scoped3A_11, %dma_wait3A_53, %dma_wait3A_54] : memref<2x128x128xf32, #tpu.memory_space<vmem>> -> memref<1x128x128xf32, #tpu.memory_space<vmem>>
      %dma_wait3A_56 = tpu.memref_squeeze %dma_wait3A_55 : memref<1x128x128xf32, #tpu.memory_space<vmem>> -> memref<128x128xf32, #tpu.memory_space<vmem>>
      tpu.wait_dma2 semaphore(%run_scoped3A_34 : memref<!tpu.dma_semaphore, #tpu.memory_space<semaphore_mem>>) src(%dma_wait3A_56 : memref<128x128xf32, #tpu.memory_space<vmem>>) dst(%dma_wait3A_52 : memref<128x128xf32, #tpu.memory_space<vmem_shared>>)
      tpu.yield
    }) : () -> ()
    %add3A_12 = arith.constant 256 : i32
    %add3A_13 = arith.addi %mul3A_7, %add3A_12 : i32
    %run_scoped3A_14 = arith.constant 0 : i32
    "tpu.region"() ({
      %run_scoped3A_34 = tpu.sem_alloc : memref<!tpu.dma_semaphore, #tpu.memory_space<semaphore_mem>>
      %dma_start3A = arith.constant 0 : i32
      %dma_start3A_35 = arith.constant 0 : i32
      %dma_start3A_36 = tpu.memref_slice %arg8[%run_scoped3A_14, %dma_start3A, %dma_start3A_35] : memref<2x128x128xf32, #tpu.memory_space<vmem>> -> memref<1x128x128xf32, #tpu.memory_space<vmem>>
      %dma_start3A_37 = tpu.memref_squeeze %dma_start3A_36 : memref<1x128x128xf32, #tpu.memory_space<vmem>> -> memref<128x128xf32, #tpu.memory_space<vmem>>
      %dma_start3A_38 = arith.constant 0 : i32
      %dma_start3A_39 = tpu.memref_slice %arg9[%add3A_13, %dma_start3A_38] : memref<10240x128xf32, #tpu.memory_space<vmem_shared>> -> memref<128x128xf32, #tpu.memory_space<vmem_shared>>
      %dma_start3A_40 = arith.constant 0 : i32
      %dma_start3A_41 = tpu.memref_slice %arg9[%add3A_13, %dma_start3A_40] : memref<10240x128xf32, #tpu.memory_space<vmem_shared>> -> memref<128x128xf32, #tpu.memory_space<vmem_shared>>
      %dma_start3A_42 = arith.constant 0 : i32
      %dma_start3A_43 = arith.constant 0 : i32
      %dma_start3A_44 = tpu.memref_slice %arg8[%run_scoped3A_14, %dma_start3A_42, %dma_start3A_43] : memref<2x128x128xf32, #tpu.memory_space<vmem>> -> memref<1x128x128xf32, #tpu.memory_space<vmem>>
      %dma_start3A_45 = tpu.memref_squeeze %dma_start3A_44 : memref<1x128x128xf32, #tpu.memory_space<vmem>> -> memref<128x128xf32, #tpu.memory_space<vmem>>
      tpu.enqueue_dma source(%dma_start3A_45 : memref<128x128xf32, #tpu.memory_space<vmem>>) target(%dma_start3A_41 : memref<128x128xf32, #tpu.memory_space<vmem_shared>>) target_semaphore(%run_scoped3A_34 : memref<!tpu.dma_semaphore, #tpu.memory_space<semaphore_mem>>)
      %dma_wait3A = arith.constant 0 : i32
      %dma_wait3A_46 = arith.constant 0 : i32
      %dma_wait3A_47 = tpu.memref_slice %arg8[%run_scoped3A_14, %dma_wait3A, %dma_wait3A_46] : memref<2x128x128xf32, #tpu.memory_space<vmem>> -> memref<1x128x128xf32, #tpu.memory_space<vmem>>
      %dma_wait3A_48 = tpu.memref_squeeze %dma_wait3A_47 : memref<1x128x128xf32, #tpu.memory_space<vmem>> -> memref<128x128xf32, #tpu.memory_space<vmem>>
      %dma_wait3A_49 = arith.constant 0 : i32
      %dma_wait3A_50 = tpu.memref_slice %arg9[%add3A_13, %dma_wait3A_49] : memref<10240x128xf32, #tpu.memory_space<vmem_shared>> -> memref<128x128xf32, #tpu.memory_space<vmem_shared>>
      %dma_wait3A_51 = arith.constant 0 : i32
      %dma_wait3A_52 = tpu.memref_slice %arg9[%add3A_13, %dma_wait3A_51] : memref<10240x128xf32, #tpu.memory_space<vmem_shared>> -> memref<128x128xf32, #tpu.memory_space<vmem_shared>>
      %dma_wait3A_53 = arith.constant 0 : i32
      %dma_wait3A_54 = arith.constant 0 : i32
      %dma_wait3A_55 = tpu.memref_slice %arg8[%run_scoped3A_14, %dma_wait3A_53, %dma_wait3A_54] : memref<2x128x128xf32, #tpu.memory_space<vmem>> -> memref<1x128x128xf32, #tpu.memory_space<vmem>>
      %dma_wait3A_56 = tpu.memref_squeeze %dma_wait3A_55 : memref<1x128x128xf32, #tpu.memory_space<vmem>> -> memref<128x128xf32, #tpu.memory_space<vmem>>
      tpu.wait_dma2 semaphore(%run_scoped3A_34 : memref<!tpu.dma_semaphore, #tpu.memory_space<semaphore_mem>>) src(%dma_wait3A_56 : memref<128x128xf32, #tpu.memory_space<vmem>>) dst(%dma_wait3A_52 : memref<128x128xf32, #tpu.memory_space<vmem_shared>>)
      tpu.yield
    }) : () -> ()
    %add3A_15 = arith.constant 384 : i32
    %add3A_16 = arith.addi %mul3A_7, %add3A_15 : i32
    %run_scoped3A_17 = arith.constant 0 : i32
    "tpu.region"() ({
      %run_scoped3A_34 = tpu.sem_alloc : memref<!tpu.dma_semaphore, #tpu.memory_space<semaphore_mem>>
      %dma_start3A = arith.constant 0 : i32
      %dma_start3A_35 = arith.constant 0 : i32
      %dma_start3A_36 = tpu.memref_slice %arg8[%run_scoped3A_17, %dma_start3A, %dma_start3A_35] : memref<2x128x128xf32, #tpu.memory_space<vmem>> -> memref<1x128x128xf32, #tpu.memory_space<vmem>>
      %dma_start3A_37 = tpu.memref_squeeze %dma_start3A_36 : memref<1x128x128xf32, #tpu.memory_space<vmem>> -> memref<128x128xf32, #tpu.memory_space<vmem>>
      %dma_start3A_38 = arith.constant 0 : i32
      %dma_start3A_39 = tpu.memref_slice %arg9[%add3A_16, %dma_start3A_38] : memref<10240x128xf32, #tpu.memory_space<vmem_shared>> -> memref<128x128xf32, #tpu.memory_space<vmem_shared>>
      %dma_start3A_40 = arith.constant 0 : i32
      %dma_start3A_41 = tpu.memref_slice %arg9[%add3A_16, %dma_start3A_40] : memref<10240x128xf32, #tpu.memory_space<vmem_shared>> -> memref<128x128xf32, #tpu.memory_space<vmem_shared>>
      %dma_start3A_42 = arith.constant 0 : i32
      %dma_start3A_43 = arith.constant 0 : i32
      %dma_start3A_44 = tpu.memref_slice %arg8[%run_scoped3A_17, %dma_start3A_42, %dma_start3A_43] : memref<2x128x128xf32, #tpu.memory_space<vmem>> -> memref<1x128x128xf32, #tpu.memory_space<vmem>>
      %dma_start3A_45 = tpu.memref_squeeze %dma_start3A_44 : memref<1x128x128xf32, #tpu.memory_space<vmem>> -> memref<128x128xf32, #tpu.memory_space<vmem>>
      tpu.enqueue_dma source(%dma_start3A_45 : memref<128x128xf32, #tpu.memory_space<vmem>>) target(%dma_start3A_41 : memref<128x128xf32, #tpu.memory_space<vmem_shared>>) target_semaphore(%run_scoped3A_34 : memref<!tpu.dma_semaphore, #tpu.memory_space<semaphore_mem>>)
      %dma_wait3A = arith.constant 0 : i32
      %dma_wait3A_46 = arith.constant 0 : i32
      %dma_wait3A_47 = tpu.memref_slice %arg8[%run_scoped3A_17, %dma_wait3A, %dma_wait3A_46] : memref<2x128x128xf32, #tpu.memory_space<vmem>> -> memref<1x128x128xf32, #tpu.memory_space<vmem>>
      %dma_wait3A_48 = tpu.memref_squeeze %dma_wait3A_47 : memref<1x128x128xf32, #tpu.memory_space<vmem>> -> memref<128x128xf32, #tpu.memory_space<vmem>>
      %dma_wait3A_49 = arith.constant 0 : i32
      %dma_wait3A_50 = tpu.memref_slice %arg9[%add3A_16, %dma_wait3A_49] : memref<10240x128xf32, #tpu.memory_space<vmem_shared>> -> memref<128x128xf32, #tpu.memory_space<vmem_shared>>
      %dma_wait3A_51 = arith.constant 0 : i32
      %dma_wait3A_52 = tpu.memref_slice %arg9[%add3A_16, %dma_wait3A_51] : memref<10240x128xf32, #tpu.memory_space<vmem_shared>> -> memref<128x128xf32, #tpu.memory_space<vmem_shared>>
      %dma_wait3A_53 = arith.constant 0 : i32
      %dma_wait3A_54 = arith.constant 0 : i32
      %dma_wait3A_55 = tpu.memref_slice %arg8[%run_scoped3A_17, %dma_wait3A_53, %dma_wait3A_54] : memref<2x128x128xf32, #tpu.memory_space<vmem>> -> memref<1x128x128xf32, #tpu.memory_space<vmem>>
      %dma_wait3A_56 = tpu.memref_squeeze %dma_wait3A_55 : memref<1x128x128xf32, #tpu.memory_space<vmem>> -> memref<128x128xf32, #tpu.memory_space<vmem>>
      tpu.wait_dma2 semaphore(%run_scoped3A_34 : memref<!tpu.dma_semaphore, #tpu.memory_space<semaphore_mem>>) src(%dma_wait3A_56 : memref<128x128xf32, #tpu.memory_space<vmem>>) dst(%dma_wait3A_52 : memref<128x128xf32, #tpu.memory_space<vmem_shared>>)
      tpu.yield
    }) : () -> ()
    %add3A_18 = arith.constant 512 : i32
    %add3A_19 = arith.addi %mul3A_7, %add3A_18 : i32
    %run_scoped3A_20 = arith.constant 0 : i32
    "tpu.region"() ({
      %run_scoped3A_34 = tpu.sem_alloc : memref<!tpu.dma_semaphore, #tpu.memory_space<semaphore_mem>>
      %dma_start3A = arith.constant 0 : i32
      %dma_start3A_35 = arith.constant 0 : i32
      %dma_start3A_36 = tpu.memref_slice %arg8[%run_scoped3A_20, %dma_start3A, %dma_start3A_35] : memref<2x128x128xf32, #tpu.memory_space<vmem>> -> memref<1x128x128xf32, #tpu.memory_space<vmem>>
      %dma_start3A_37 = tpu.memref_squeeze %dma_start3A_36 : memref<1x128x128xf32, #tpu.memory_space<vmem>> -> memref<128x128xf32, #tpu.memory_space<vmem>>
      %dma_start3A_38 = arith.constant 0 : i32
      %dma_start3A_39 = tpu.memref_slice %arg9[%add3A_19, %dma_start3A_38] : memref<10240x128xf32, #tpu.memory_space<vmem_shared>> -> memref<128x128xf32, #tpu.memory_space<vmem_shared>>
      %dma_start3A_40 = arith.constant 0 : i32
      %dma_start3A_41 = tpu.memref_slice %arg9[%add3A_19, %dma_start3A_40] : memref<10240x128xf32, #tpu.memory_space<vmem_shared>> -> memref<128x128xf32, #tpu.memory_space<vmem_shared>>
      %dma_start3A_42 = arith.constant 0 : i32
      %dma_start3A_43 = arith.constant 0 : i32
      %dma_start3A_44 = tpu.memref_slice %arg8[%run_scoped3A_20, %dma_start3A_42, %dma_start3A_43] : memref<2x128x128xf32, #tpu.memory_space<vmem>> -> memref<1x128x128xf32, #tpu.memory_space<vmem>>
      %dma_start3A_45 = tpu.memref_squeeze %dma_start3A_44 : memref<1x128x128xf32, #tpu.memory_space<vmem>> -> memref<128x128xf32, #tpu.memory_space<vmem>>
      tpu.enqueue_dma source(%dma_start3A_45 : memref<128x128xf32, #tpu.memory_space<vmem>>) target(%dma_start3A_41 : memref<128x128xf32, #tpu.memory_space<vmem_shared>>) target_semaphore(%run_scoped3A_34 : memref<!tpu.dma_semaphore, #tpu.memory_space<semaphore_mem>>)
      %dma_wait3A = arith.constant 0 : i32
      %dma_wait3A_46 = arith.constant 0 : i32
      %dma_wait3A_47 = tpu.memref_slice %arg8[%run_scoped3A_20, %dma_wait3A, %dma_wait3A_46] : memref<2x128x128xf32, #tpu.memory_space<vmem>> -> memref<1x128x128xf32, #tpu.memory_space<vmem>>
      %dma_wait3A_48 = tpu.memref_squeeze %dma_wait3A_47 : memref<1x128x128xf32, #tpu.memory_space<vmem>> -> memref<128x128xf32, #tpu.memory_space<vmem>>
      %dma_wait3A_49 = arith.constant 0 : i32
      %dma_wait3A_50 = tpu.memref_slice %arg9[%add3A_19, %dma_wait3A_49] : memref<10240x128xf32, #tpu.memory_space<vmem_shared>> -> memref<128x128xf32, #tpu.memory_space<vmem_shared>>
      %dma_wait3A_51 = arith.constant 0 : i32
      %dma_wait3A_52 = tpu.memref_slice %arg9[%add3A_19, %dma_wait3A_51] : memref<10240x128xf32, #tpu.memory_space<vmem_shared>> -> memref<128x128xf32, #tpu.memory_space<vmem_shared>>
      %dma_wait3A_53 = arith.constant 0 : i32
      %dma_wait3A_54 = arith.constant 0 : i32
      %dma_wait3A_55 = tpu.memref_slice %arg8[%run_scoped3A_20, %dma_wait3A_53, %dma_wait3A_54] : memref<2x128x128xf32, #tpu.memory_space<vmem>> -> memref<1x128x128xf32, #tpu.memory_space<vmem>>
      %dma_wait3A_56 = tpu.memref_squeeze %dma_wait3A_55 : memref<1x128x128xf32, #tpu.memory_space<vmem>> -> memref<128x128xf32, #tpu.memory_space<vmem>>
      tpu.wait_dma2 semaphore(%run_scoped3A_34 : memref<!tpu.dma_semaphore, #tpu.memory_space<semaphore_mem>>) src(%dma_wait3A_56 : memref<128x128xf32, #tpu.memory_space<vmem>>) dst(%dma_wait3A_52 : memref<128x128xf32, #tpu.memory_space<vmem_shared>>)
      tpu.yield
    }) : () -> ()
    %barrier3A = arith.constant 0 : index
    tpu.barrier barrier_id(%barrier3A)
    %scan3A_21 = arith.constant 0 : i32
    %scan3A_22 = arith.constant 2 : i32
    %scan3A_23 = arith.addi %scan3A_21, %scan3A_22 : i32
    %scan3A_24 = arith.constant 1 : i32
    scf.for %scan3A_34 = %scan3A_21 to %scan3A_23 step %scan3A_24  : i32 {
      %mul3A_35 = arith.constant 1 : i32
      %mul3A_36 = arith.muli %scan3A_34, %mul3A_35 : i32
      %add3A_37 = arith.constant 0 : i32
      %add3A_38 = arith.addi %add3A_37, %mul3A_36 : i32
      %mul3A_39 = arith.constant 16 : i32
      %mul3A_40 = arith.muli %add3A_38, %mul3A_39 : i32
      %add3A_41 = arith.addi %mul3A_40, %arg1 : i32
      %mul3A_42 = arith.constant 80 : i32
      %mul3A_43 = arith.muli %add3A_41, %mul3A_42 : i32
      %eq3A_44 = arith.constant 0 : i32
      %eq3A_45 = arith.cmpi eq, %arg0, %eq3A_44 : i32
      %jit3A_46 = arith.constant 0 : i32
      %jit3A_47 = arith.constant 48 : i32
      %select_n3A_48 = arith.select %eq3A_45, %jit3A_46, %jit3A_47 : i32
      %add3A_49 = arith.addi %mul3A_43, %select_n3A_48 : i32
      %eq3A_50 = arith.constant 0 : i32
      %eq3A_51 = arith.cmpi eq, %arg0, %eq3A_50 : i32
      %convert_element_type3A_52 = arith.extui %eq3A_51 : i1 to i32
      %cond3A_53 = arith.constant 0 : i32
      %cond3A_54 = arith.cmpi ne, %convert_element_type3A_52, %cond3A_53 : i32
      scf.if %cond3A_54 {
        "tpu.region"() ({
          %run_scoped3A_173 = tpu.sem_alloc : memref<!tpu.dma_semaphore, #tpu.memory_space<semaphore_mem>>
          %dma_start3A_174 = arith.constant 0 : i32
          %dma_start3A_175 = tpu.memref_slice %arg3[%add3A_49, %dma_start3A_174] : memref<2560x128xi32, #tpu.memory_space<hbm>> -> memref<48x128xi32, #tpu.memory_space<hbm>>
          %dma_start3A_176 = arith.constant 0 : i32
          %dma_start3A_177 = tpu.memref_slice %arg3[%add3A_49, %dma_start3A_176] : memref<2560x128xi32, #tpu.memory_space<hbm>> -> memref<48x128xi32, #tpu.memory_space<hbm>>
          tpu.enqueue_dma source(%dma_start3A_177 : memref<48x128xi32, #tpu.memory_space<hbm>>) target(%arg6 : memref<48x128xi32, #tpu.memory_space<vmem>>) target_semaphore(%run_scoped3A_173 : memref<!tpu.dma_semaphore, #tpu.memory_space<semaphore_mem>>)
          %dma_wait3A_178 = arith.constant 0 : i32
          %dma_wait3A_179 = tpu.memref_slice %arg3[%add3A_49, %dma_wait3A_178] : memref<2560x128xi32, #tpu.memory_space<hbm>> -> memref<48x128xi32, #tpu.memory_space<hbm>>
          %dma_wait3A_180 = arith.constant 0 : i32
          %dma_wait3A_181 = tpu.memref_slice %arg3[%add3A_49, %dma_wait3A_180] : memref<2560x128xi32, #tpu.memory_space<hbm>> -> memref<48x128xi32, #tpu.memory_space<hbm>>
          tpu.wait_dma2 semaphore(%run_scoped3A_173 : memref<!tpu.dma_semaphore, #tpu.memory_space<semaphore_mem>>) src(%dma_wait3A_181 : memref<48x128xi32, #tpu.memory_space<hbm>>) dst(%arg6 : memref<48x128xi32, #tpu.memory_space<vmem>>)
          tpu.yield
        }) : () -> ()
        "tpu.region"() ({
          %run_scoped3A_173 = tpu.sem_alloc : memref<!tpu.dma_semaphore, #tpu.memory_space<semaphore_mem>>
          %dma_start3A_174 = arith.constant 0 : i32
          %dma_start3A_175 = tpu.memref_slice %arg4[%add3A_49, %dma_start3A_174] : memref<2560x128xi32, #tpu.memory_space<hbm>> -> memref<48x128xi32, #tpu.memory_space<hbm>>
          %dma_start3A_176 = arith.constant 0 : i32
          %dma_start3A_177 = tpu.memref_slice %arg4[%add3A_49, %dma_start3A_176] : memref<2560x128xi32, #tpu.memory_space<hbm>> -> memref<48x128xi32, #tpu.memory_space<hbm>>
          tpu.enqueue_dma source(%dma_start3A_177 : memref<48x128xi32, #tpu.memory_space<hbm>>) target(%arg7 : memref<48x128xi32, #tpu.memory_space<vmem>>) target_semaphore(%run_scoped3A_173 : memref<!tpu.dma_semaphore, #tpu.memory_space<semaphore_mem>>)
          %dma_wait3A_178 = arith.constant 0 : i32
          %dma_wait3A_179 = tpu.memref_slice %arg4[%add3A_49, %dma_wait3A_178] : memref<2560x128xi32, #tpu.memory_space<hbm>> -> memref<48x128xi32, #tpu.memory_space<hbm>>
          %dma_wait3A_180 = arith.constant 0 : i32
          %dma_wait3A_181 = tpu.memref_slice %arg4[%add3A_49, %dma_wait3A_180] : memref<2560x128xi32, #tpu.memory_space<hbm>> -> memref<48x128xi32, #tpu.memory_space<hbm>>
          tpu.wait_dma2 semaphore(%run_scoped3A_173 : memref<!tpu.dma_semaphore, #tpu.memory_space<semaphore_mem>>) src(%dma_wait3A_181 : memref<48x128xi32, #tpu.memory_space<hbm>>) dst(%arg7 : memref<48x128xi32, #tpu.memory_space<vmem>>)
          tpu.yield
        }) : () -> ()
      } else {
      }
      %ne3A = arith.constant 0 : i32
      %ne3A_55 = arith.cmpi ne, %arg0, %ne3A : i32
      %convert_element_type3A_56 = arith.extui %ne3A_55 : i1 to i32
      %cond3A_57 = arith.constant 0 : i32
      %cond3A_58 = arith.cmpi ne, %convert_element_type3A_56, %cond3A_57 : i32
      scf.if %cond3A_58 {
        "tpu.region"() ({
          %run_scoped3A_173 = tpu.sem_alloc : memref<!tpu.dma_semaphore, #tpu.memory_space<semaphore_mem>>
          %dma_start3A_174 = arith.constant 0 : i32
          %dma_start3A_175 = arith.constant 0 : i32
          %dma_start3A_176 = tpu.memref_slice %arg6[%dma_start3A_174, %dma_start3A_175] : memref<48x128xi32, #tpu.memory_space<vmem>> -> memref<32x128xi32, #tpu.memory_space<vmem>>
          %dma_start3A_177 = arith.constant 0 : i32
          %dma_start3A_178 = tpu.memref_slice %arg3[%add3A_49, %dma_start3A_177] : memref<2560x128xi32, #tpu.memory_space<hbm>> -> memref<32x128xi32, #tpu.memory_space<hbm>>
          %dma_start3A_179 = arith.constant 0 : i32
          %dma_start3A_180 = arith.constant 0 : i32
          %dma_start3A_181 = tpu.memref_slice %arg6[%dma_start3A_179, %dma_start3A_180] : memref<48x128xi32, #tpu.memory_space<vmem>> -> memref<32x128xi32, #tpu.memory_space<vmem>>
          %dma_start3A_182 = arith.constant 0 : i32
          %dma_start3A_183 = tpu.memref_slice %arg3[%add3A_49, %dma_start3A_182] : memref<2560x128xi32, #tpu.memory_space<hbm>> -> memref<32x128xi32, #tpu.memory_space<hbm>>
          tpu.enqueue_dma source(%dma_start3A_183 : memref<32x128xi32, #tpu.memory_space<hbm>>) target(%dma_start3A_181 : memref<32x128xi32, #tpu.memory_space<vmem>>) target_semaphore(%run_scoped3A_173 : memref<!tpu.dma_semaphore, #tpu.memory_space<semaphore_mem>>)
          %dma_wait3A_184 = arith.constant 0 : i32
          %dma_wait3A_185 = arith.constant 0 : i32
          %dma_wait3A_186 = tpu.memref_slice %arg6[%dma_wait3A_184, %dma_wait3A_185] : memref<48x128xi32, #tpu.memory_space<vmem>> -> memref<32x128xi32, #tpu.memory_space<vmem>>
          %dma_wait3A_187 = arith.constant 0 : i32
          %dma_wait3A_188 = tpu.memref_slice %arg3[%add3A_49, %dma_wait3A_187] : memref<2560x128xi32, #tpu.memory_space<hbm>> -> memref<32x128xi32, #tpu.memory_space<hbm>>
          %dma_wait3A_189 = arith.constant 0 : i32
          %dma_wait3A_190 = arith.constant 0 : i32
          %dma_wait3A_191 = tpu.memref_slice %arg6[%dma_wait3A_189, %dma_wait3A_190] : memref<48x128xi32, #tpu.memory_space<vmem>> -> memref<32x128xi32, #tpu.memory_space<vmem>>
          %dma_wait3A_192 = arith.constant 0 : i32
          %dma_wait3A_193 = tpu.memref_slice %arg3[%add3A_49, %dma_wait3A_192] : memref<2560x128xi32, #tpu.memory_space<hbm>> -> memref<32x128xi32, #tpu.memory_space<hbm>>
          tpu.wait_dma2 semaphore(%run_scoped3A_173 : memref<!tpu.dma_semaphore, #tpu.memory_space<semaphore_mem>>) src(%dma_wait3A_193 : memref<32x128xi32, #tpu.memory_space<hbm>>) dst(%dma_wait3A_191 : memref<32x128xi32, #tpu.memory_space<vmem>>)
          tpu.yield
        }) : () -> ()
        "tpu.region"() ({
          %run_scoped3A_173 = tpu.sem_alloc : memref<!tpu.dma_semaphore, #tpu.memory_space<semaphore_mem>>
          %dma_start3A_174 = arith.constant 0 : i32
          %dma_start3A_175 = arith.constant 0 : i32
          %dma_start3A_176 = tpu.memref_slice %arg7[%dma_start3A_174, %dma_start3A_175] : memref<48x128xi32, #tpu.memory_space<vmem>> -> memref<32x128xi32, #tpu.memory_space<vmem>>
          %dma_start3A_177 = arith.constant 0 : i32
          %dma_start3A_178 = tpu.memref_slice %arg4[%add3A_49, %dma_start3A_177] : memref<2560x128xi32, #tpu.memory_space<hbm>> -> memref<32x128xi32, #tpu.memory_space<hbm>>
          %dma_start3A_179 = arith.constant 0 : i32
          %dma_start3A_180 = arith.constant 0 : i32
          %dma_start3A_181 = tpu.memref_slice %arg7[%dma_start3A_179, %dma_start3A_180] : memref<48x128xi32, #tpu.memory_space<vmem>> -> memref<32x128xi32, #tpu.memory_space<vmem>>
          %dma_start3A_182 = arith.constant 0 : i32
          %dma_start3A_183 = tpu.memref_slice %arg4[%add3A_49, %dma_start3A_182] : memref<2560x128xi32, #tpu.memory_space<hbm>> -> memref<32x128xi32, #tpu.memory_space<hbm>>
          tpu.enqueue_dma source(%dma_start3A_183 : memref<32x128xi32, #tpu.memory_space<hbm>>) target(%dma_start3A_181 : memref<32x128xi32, #tpu.memory_space<vmem>>) target_semaphore(%run_scoped3A_173 : memref<!tpu.dma_semaphore, #tpu.memory_space<semaphore_mem>>)
          %dma_wait3A_184 = arith.constant 0 : i32
          %dma_wait3A_185 = arith.constant 0 : i32
          %dma_wait3A_186 = tpu.memref_slice %arg7[%dma_wait3A_184, %dma_wait3A_185] : memref<48x128xi32, #tpu.memory_space<vmem>> -> memref<32x128xi32, #tpu.memory_space<vmem>>
          %dma_wait3A_187 = arith.constant 0 : i32
          %dma_wait3A_188 = tpu.memref_slice %arg4[%add3A_49, %dma_wait3A_187] : memref<2560x128xi32, #tpu.memory_space<hbm>> -> memref<32x128xi32, #tpu.memory_space<hbm>>
          %dma_wait3A_189 = arith.constant 0 : i32
          %dma_wait3A_190 = arith.constant 0 : i32
          %dma_wait3A_191 = tpu.memref_slice %arg7[%dma_wait3A_189, %dma_wait3A_190] : memref<48x128xi32, #tpu.memory_space<vmem>> -> memref<32x128xi32, #tpu.memory_space<vmem>>
          %dma_wait3A_192 = arith.constant 0 : i32
          %dma_wait3A_193 = tpu.memref_slice %arg4[%add3A_49, %dma_wait3A_192] : memref<2560x128xi32, #tpu.memory_space<hbm>> -> memref<32x128xi32, #tpu.memory_space<hbm>>
          tpu.wait_dma2 semaphore(%run_scoped3A_173 : memref<!tpu.dma_semaphore, #tpu.memory_space<semaphore_mem>>) src(%dma_wait3A_193 : memref<32x128xi32, #tpu.memory_space<hbm>>) dst(%dma_wait3A_191 : memref<32x128xi32, #tpu.memory_space<vmem>>)
          tpu.yield
        }) : () -> ()
      } else {
      }
      %dma_start3A = arith.constant 0 : i32
      %dma_start3A_59 = arith.constant 0 : i32
      %dma_start3A_60 = arith.constant 0 : i32
      %dma_start3A_61 = arith.constant 0 : i32
      %dma_start3A_62 = tpu.memref_slice %arg8[%dma_start3A_59, %dma_start3A_60, %dma_start3A_61] : memref<2x128x128xf32, #tpu.memory_space<vmem>> -> memref<1x128x128xf32, #tpu.memory_space<vmem>>
      %dma_start3A_63 = tpu.memref_squeeze %dma_start3A_62 : memref<1x128x128xf32, #tpu.memory_space<vmem>> -> memref<128x128xf32, #tpu.memory_space<vmem>>
      %dma_start3A_64 = arith.constant 0 : i32
      %dma_start3A_65 = tpu.memref_slice %arg6[%dma_start3A, %dma_start3A_64] : memref<48x128xi32, #tpu.memory_space<vmem>> -> memref<1x128xi32, #tpu.memory_space<vmem>>
      %dma_start3A_66 = tpu.memref_squeeze %dma_start3A_65 : memref<1x128xi32, #tpu.memory_space<vmem>> -> memref<128xi32, #tpu.memory_space<vmem>>
      %dma_start3A_67 = arith.constant 0 : i32
      %dma_start3A_68 = arith.constant 0 : i32
      %dma_start3A_69 = tpu.memref_slice %arg2[%dma_start3A_67, %dma_start3A_68] : memref<10000x128xf32, #tpu.memory_space<hbm>> -> memref<10000x128xf32, #tpu.memory_space<hbm>>
      tpu.enqueue_indirect_dma source(%dma_start3A_69 : memref<10000x128xf32, #tpu.memory_space<hbm>>) target(%dma_start3A_63 : memref<128x128xf32, #tpu.memory_space<vmem>>) offsets(%dma_start3A_66 : memref<128xi32, #tpu.memory_space<vmem>>) semaphore(%arg10 : memref<!tpu.dma_semaphore, #tpu.memory_space<semaphore_mem>>)
      %dma_start3A_70 = arith.constant 1 : i32
      %dma_start3A_71 = arith.constant 1 : i32
      %dma_start3A_72 = arith.constant 0 : i32
      %dma_start3A_73 = arith.constant 0 : i32
      %dma_start3A_74 = tpu.memref_slice %arg8[%dma_start3A_71, %dma_start3A_72, %dma_start3A_73] : memref<2x128x128xf32, #tpu.memory_space<vmem>> -> memref<1x128x128xf32, #tpu.memory_space<vmem>>
      %dma_start3A_75 = tpu.memref_squeeze %dma_start3A_74 : memref<1x128x128xf32, #tpu.memory_space<vmem>> -> memref<128x128xf32, #tpu.memory_space<vmem>>
      %dma_start3A_76 = arith.constant 0 : i32
      %dma_start3A_77 = tpu.memref_slice %arg6[%dma_start3A_70, %dma_start3A_76] : memref<48x128xi32, #tpu.memory_space<vmem>> -> memref<1x128xi32, #tpu.memory_space<vmem>>
      %dma_start3A_78 = tpu.memref_squeeze %dma_start3A_77 : memref<1x128xi32, #tpu.memory_space<vmem>> -> memref<128xi32, #tpu.memory_space<vmem>>
      %dma_start3A_79 = arith.constant 0 : i32
      %dma_start3A_80 = arith.constant 0 : i32
      %dma_start3A_81 = tpu.memref_slice %arg2[%dma_start3A_79, %dma_start3A_80] : memref<10000x128xf32, #tpu.memory_space<hbm>> -> memref<10000x128xf32, #tpu.memory_space<hbm>>
      tpu.enqueue_indirect_dma source(%dma_start3A_81 : memref<10000x128xf32, #tpu.memory_space<hbm>>) target(%dma_start3A_75 : memref<128x128xf32, #tpu.memory_space<vmem>>) offsets(%dma_start3A_78 : memref<128xi32, #tpu.memory_space<vmem>>) semaphore(%arg11 : memref<!tpu.dma_semaphore, #tpu.memory_space<semaphore_mem>>)
      %sub3A = arith.constant 2 : i32
      %sub3A_82 = arith.subi %select_n3A, %sub3A : i32
      %sub3A_83 = arith.constant 0 : i32
      %sub3A_84 = arith.subi %sub3A_82, %sub3A_83 : i32
      %sub3A_85 = arith.constant 2 : i32
      %sub3A_86 = arith.constant 1 : i32
      %sub3A_87 = arith.subi %sub3A_85, %sub3A_86 : i32
      %add3A_88 = arith.addi %sub3A_84, %sub3A_87 : i32
      %div3A = arith.constant 2 : i32
      %div3A_89 = arith.divsi %add3A_88, %div3A : i32
      %while3A = arith.constant 2 : i32
      %while3A_90 = arith.constant 0 : i32
      %while3A_91 = arith.constant 0 : i32
      %while3A_92 = arith.subi %div3A_89, %while3A_91 : i32
      %while3A_93 = arith.addi %while3A_91, %while3A_92 : i32
      %while3A_94 = arith.constant 1 : i32
      %while3A_95 = arith.divsi %while3A_92, %while3A_94 : i32
      %while3A_96 = arith.muli %while3A_95, %while3A_94 : i32
      %while3A_97 = arith.addi %while3A_91, %while3A_96 : i32
      %while3A_98 = arith.constant 1 : i32
      scf.for %while3A_173 = %while3A_91 to %while3A_97 step %while3A_98  : i32 {
        %mul3A_174 = arith.muli %while3A_173, %while3A : i32
        %add3A_175 = arith.addi %while3A_90, %mul3A_174 : i32
        %add3A_176 = arith.constant 0 : i32
        %add3A_177 = arith.addi %add3A_175, %add3A_176 : i32
        %dma_wait3A_178 = arith.constant 0 : i32
        %dma_wait3A_179 = arith.constant 0 : i32
        %dma_wait3A_180 = arith.constant 0 : i32
        %dma_wait3A_181 = tpu.memref_slice %arg8[%dma_wait3A_178, %dma_wait3A_179, %dma_wait3A_180] : memref<2x128x128xf32, #tpu.memory_space<vmem>> -> memref<1x128x128xf32, #tpu.memory_space<vmem>>
        %dma_wait3A_182 = tpu.memref_squeeze %dma_wait3A_181 : memref<1x128x128xf32, #tpu.memory_space<vmem>> -> memref<128x128xf32, #tpu.memory_space<vmem>>
        %dma_wait3A_183 = arith.constant 0 : i32
        %dma_wait3A_184 = tpu.memref_slice %arg6[%add3A_177, %dma_wait3A_183] : memref<48x128xi32, #tpu.memory_space<vmem>> -> memref<1x128xi32, #tpu.memory_space<vmem>>
        %dma_wait3A_185 = tpu.memref_squeeze %dma_wait3A_184 : memref<1x128xi32, #tpu.memory_space<vmem>> -> memref<128xi32, #tpu.memory_space<vmem>>
        %dma_wait3A_186 = arith.constant 0 : i32
        %dma_wait3A_187 = arith.constant 0 : i32
        %dma_wait3A_188 = tpu.memref_slice %arg2[%dma_wait3A_186, %dma_wait3A_187] : memref<10000x128xf32, #tpu.memory_space<hbm>> -> memref<10000x128xf32, #tpu.memory_space<hbm>>
        tpu.wait_indirect_dma semaphore(%arg10 : memref<!tpu.dma_semaphore, #tpu.memory_space<semaphore_mem>>) src(%dma_wait3A_188 : memref<10000x128xf32, #tpu.memory_space<hbm>>) dst(%dma_wait3A_182 : memref<128x128xf32, #tpu.memory_space<vmem>>)
        %dma_start3A_189 = arith.constant 0 : i32
        %dma_start3A_190 = arith.constant 0 : i32
        %dma_start3A_191 = arith.constant 0 : i32
        %dma_start3A_192 = tpu.memref_slice %arg8[%dma_start3A_189, %dma_start3A_190, %dma_start3A_191] : memref<2x128x128xf32, #tpu.memory_space<vmem>> -> memref<1x128x128xf32, #tpu.memory_space<vmem>>
        %dma_start3A_193 = tpu.memref_squeeze %dma_start3A_192 : memref<1x128x128xf32, #tpu.memory_space<vmem>> -> memref<128x128xf32, #tpu.memory_space<vmem>>
        %dma_start3A_194 = arith.constant 0 : i32
        %dma_start3A_195 = tpu.memref_slice %arg7[%add3A_177, %dma_start3A_194] : memref<48x128xi32, #tpu.memory_space<vmem>> -> memref<1x128xi32, #tpu.memory_space<vmem>>
        %dma_start3A_196 = tpu.memref_squeeze %dma_start3A_195 : memref<1x128xi32, #tpu.memory_space<vmem>> -> memref<128xi32, #tpu.memory_space<vmem>>
        %dma_start3A_197 = arith.constant 0 : i32
        %dma_start3A_198 = arith.constant 0 : i32
        %dma_start3A_199 = tpu.memref_slice %arg9[%dma_start3A_197, %dma_start3A_198] : memref<10240x128xf32, #tpu.memory_space<vmem_shared>> -> memref<10240x128xf32, #tpu.memory_space<vmem_shared>>
        tpu.enqueue_indirect_dma source(%dma_start3A_193 : memref<128x128xf32, #tpu.memory_space<vmem>>) target(%dma_start3A_199 : memref<10240x128xf32, #tpu.memory_space<vmem_shared>>) offsets(%dma_start3A_196 : memref<128xi32, #tpu.memory_space<vmem>>) semaphore(%arg12 : memref<!tpu.dma_semaphore, #tpu.memory_space<semaphore_mem>>) {add = true}
        %dma_wait3A_200 = arith.constant 0 : i32
        %dma_wait3A_201 = arith.constant 0 : i32
        %dma_wait3A_202 = arith.constant 0 : i32
        %dma_wait3A_203 = tpu.memref_slice %arg8[%dma_wait3A_200, %dma_wait3A_201, %dma_wait3A_202] : memref<2x128x128xf32, #tpu.memory_space<vmem>> -> memref<1x128x128xf32, #tpu.memory_space<vmem>>
        %dma_wait3A_204 = tpu.memref_squeeze %dma_wait3A_203 : memref<1x128x128xf32, #tpu.memory_space<vmem>> -> memref<128x128xf32, #tpu.memory_space<vmem>>
        %dma_wait3A_205 = arith.constant 0 : i32
        %dma_wait3A_206 = tpu.memref_slice %arg7[%add3A_177, %dma_wait3A_205] : memref<48x128xi32, #tpu.memory_space<vmem>> -> memref<1x128xi32, #tpu.memory_space<vmem>>
        %dma_wait3A_207 = tpu.memref_squeeze %dma_wait3A_206 : memref<1x128xi32, #tpu.memory_space<vmem>> -> memref<128xi32, #tpu.memory_space<vmem>>
        %dma_wait3A_208 = arith.constant 0 : i32
        %dma_wait3A_209 = arith.constant 0 : i32
        %dma_wait3A_210 = tpu.memref_slice %arg9[%dma_wait3A_208, %dma_wait3A_209] : memref<10240x128xf32, #tpu.memory_space<vmem_shared>> -> memref<10240x128xf32, #tpu.memory_space<vmem_shared>>
        tpu.wait_indirect_dma semaphore(%arg12 : memref<!tpu.dma_semaphore, #tpu.memory_space<semaphore_mem>>) src(%dma_wait3A_204 : memref<128x128xf32, #tpu.memory_space<vmem>>) dst(%dma_wait3A_210 : memref<10240x128xf32, #tpu.memory_space<vmem_shared>>)
        %add3A_211 = arith.constant 2 : i32
        %add3A_212 = arith.addi %add3A_177, %add3A_211 : i32
        %dma_start3A_213 = arith.constant 0 : i32
        %dma_start3A_214 = arith.constant 0 : i32
        %dma_start3A_215 = arith.constant 0 : i32
        %dma_start3A_216 = tpu.memref_slice %arg8[%dma_start3A_213, %dma_start3A_214, %dma_start3A_215] : memref<2x128x128xf32, #tpu.memory_space<vmem>> -> memref<1x128x128xf32, #tpu.memory_space<vmem>>
        %dma_start3A_217 = tpu.memref_squeeze %dma_start3A_216 : memref<1x128x128xf32, #tpu.memory_space<vmem>> -> memref<128x128xf32, #tpu.memory_space<vmem>>
        %dma_start3A_218 = arith.constant 0 : i32
        %dma_start3A_219 = tpu.memref_slice %arg6[%add3A_212, %dma_start3A_218] : memref<48x128xi32, #tpu.memory_space<vmem>> -> memref<1x128xi32, #tpu.memory_space<vmem>>
        %dma_start3A_220 = tpu.memref_squeeze %dma_start3A_219 : memref<1x128xi32, #tpu.memory_space<vmem>> -> memref<128xi32, #tpu.memory_space<vmem>>
        %dma_start3A_221 = arith.constant 0 : i32
        %dma_start3A_222 = arith.constant 0 : i32
        %dma_start3A_223 = tpu.memref_slice %arg2[%dma_start3A_221, %dma_start3A_222] : memref<10000x128xf32, #tpu.memory_space<hbm>> -> memref<10000x128xf32, #tpu.memory_space<hbm>>
        tpu.enqueue_indirect_dma source(%dma_start3A_223 : memref<10000x128xf32, #tpu.memory_space<hbm>>) target(%dma_start3A_217 : memref<128x128xf32, #tpu.memory_space<vmem>>) offsets(%dma_start3A_220 : memref<128xi32, #tpu.memory_space<vmem>>) semaphore(%arg10 : memref<!tpu.dma_semaphore, #tpu.memory_space<semaphore_mem>>)
        %add3A_224 = arith.constant 1 : i32
        %add3A_225 = arith.addi %add3A_175, %add3A_224 : i32
        %dma_wait3A_226 = arith.constant 1 : i32
        %dma_wait3A_227 = arith.constant 0 : i32
        %dma_wait3A_228 = arith.constant 0 : i32
        %dma_wait3A_229 = tpu.memref_slice %arg8[%dma_wait3A_226, %dma_wait3A_227, %dma_wait3A_228] : memref<2x128x128xf32, #tpu.memory_space<vmem>> -> memref<1x128x128xf32, #tpu.memory_space<vmem>>
        %dma_wait3A_230 = tpu.memref_squeeze %dma_wait3A_229 : memref<1x128x128xf32, #tpu.memory_space<vmem>> -> memref<128x128xf32, #tpu.memory_space<vmem>>
        %dma_wait3A_231 = arith.constant 0 : i32
        %dma_wait3A_232 = tpu.memref_slice %arg6[%add3A_225, %dma_wait3A_231] : memref<48x128xi32, #tpu.memory_space<vmem>> -> memref<1x128xi32, #tpu.memory_space<vmem>>
        %dma_wait3A_233 = tpu.memref_squeeze %dma_wait3A_232 : memref<1x128xi32, #tpu.memory_space<vmem>> -> memref<128xi32, #tpu.memory_space<vmem>>
        %dma_wait3A_234 = arith.constant 0 : i32
        %dma_wait3A_235 = arith.constant 0 : i32
        %dma_wait3A_236 = tpu.memref_slice %arg2[%dma_wait3A_234, %dma_wait3A_235] : memref<10000x128xf32, #tpu.memory_space<hbm>> -> memref<10000x128xf32, #tpu.memory_space<hbm>>
        tpu.wait_indirect_dma semaphore(%arg11 : memref<!tpu.dma_semaphore, #tpu.memory_space<semaphore_mem>>) src(%dma_wait3A_236 : memref<10000x128xf32, #tpu.memory_space<hbm>>) dst(%dma_wait3A_230 : memref<128x128xf32, #tpu.memory_space<vmem>>)
        %dma_start3A_237 = arith.constant 1 : i32
        %dma_start3A_238 = arith.constant 0 : i32
        %dma_start3A_239 = arith.constant 0 : i32
        %dma_start3A_240 = tpu.memref_slice %arg8[%dma_start3A_237, %dma_start3A_238, %dma_start3A_239] : memref<2x128x128xf32, #tpu.memory_space<vmem>> -> memref<1x128x128xf32, #tpu.memory_space<vmem>>
        %dma_start3A_241 = tpu.memref_squeeze %dma_start3A_240 : memref<1x128x128xf32, #tpu.memory_space<vmem>> -> memref<128x128xf32, #tpu.memory_space<vmem>>
        %dma_start3A_242 = arith.constant 0 : i32
        %dma_start3A_243 = tpu.memref_slice %arg7[%add3A_225, %dma_start3A_242] : memref<48x128xi32, #tpu.memory_space<vmem>> -> memref<1x128xi32, #tpu.memory_space<vmem>>
        %dma_start3A_244 = tpu.memref_squeeze %dma_start3A_243 : memref<1x128xi32, #tpu.memory_space<vmem>> -> memref<128xi32, #tpu.memory_space<vmem>>
        %dma_start3A_245 = arith.constant 0 : i32
        %dma_start3A_246 = arith.constant 0 : i32
        %dma_start3A_247 = tpu.memref_slice %arg9[%dma_start3A_245, %dma_start3A_246] : memref<10240x128xf32, #tpu.memory_space<vmem_shared>> -> memref<10240x128xf32, #tpu.memory_space<vmem_shared>>
        tpu.enqueue_indirect_dma source(%dma_start3A_241 : memref<128x128xf32, #tpu.memory_space<vmem>>) target(%dma_start3A_247 : memref<10240x128xf32, #tpu.memory_space<vmem_shared>>) offsets(%dma_start3A_244 : memref<128xi32, #tpu.memory_space<vmem>>) semaphore(%arg13 : memref<!tpu.dma_semaphore, #tpu.memory_space<semaphore_mem>>) {add = true}
        %dma_wait3A_248 = arith.constant 1 : i32
        %dma_wait3A_249 = arith.constant 0 : i32
        %dma_wait3A_250 = arith.constant 0 : i32
        %dma_wait3A_251 = tpu.memref_slice %arg8[%dma_wait3A_248, %dma_wait3A_249, %dma_wait3A_250] : memref<2x128x128xf32, #tpu.memory_space<vmem>> -> memref<1x128x128xf32, #tpu.memory_space<vmem>>
        %dma_wait3A_252 = tpu.memref_squeeze %dma_wait3A_251 : memref<1x128x128xf32, #tpu.memory_space<vmem>> -> memref<128x128xf32, #tpu.memory_space<vmem>>
        %dma_wait3A_253 = arith.constant 0 : i32
        %dma_wait3A_254 = tpu.memref_slice %arg7[%add3A_225, %dma_wait3A_253] : memref<48x128xi32, #tpu.memory_space<vmem>> -> memref<1x128xi32, #tpu.memory_space<vmem>>
        %dma_wait3A_255 = tpu.memref_squeeze %dma_wait3A_254 : memref<1x128xi32, #tpu.memory_space<vmem>> -> memref<128xi32, #tpu.memory_space<vmem>>
        %dma_wait3A_256 = arith.constant 0 : i32
        %dma_wait3A_257 = arith.constant 0 : i32
        %dma_wait3A_258 = tpu.memref_slice %arg9[%dma_wait3A_256, %dma_wait3A_257] : memref<10240x128xf32, #tpu.memory_space<vmem_shared>> -> memref<10240x128xf32, #tpu.memory_space<vmem_shared>>
        tpu.wait_indirect_dma semaphore(%arg13 : memref<!tpu.dma_semaphore, #tpu.memory_space<semaphore_mem>>) src(%dma_wait3A_252 : memref<128x128xf32, #tpu.memory_space<vmem>>) dst(%dma_wait3A_258 : memref<10240x128xf32, #tpu.memory_space<vmem_shared>>)
        %add3A_259 = arith.constant 2 : i32
        %add3A_260 = arith.addi %add3A_225, %add3A_259 : i32
        %dma_start3A_261 = arith.constant 1 : i32
        %dma_start3A_262 = arith.constant 0 : i32
        %dma_start3A_263 = arith.constant 0 : i32
        %dma_start3A_264 = tpu.memref_slice %arg8[%dma_start3A_261, %dma_start3A_262, %dma_start3A_263] : memref<2x128x128xf32, #tpu.memory_space<vmem>> -> memref<1x128x128xf32, #tpu.memory_space<vmem>>
        %dma_start3A_265 = tpu.memref_squeeze %dma_start3A_264 : memref<1x128x128xf32, #tpu.memory_space<vmem>> -> memref<128x128xf32, #tpu.memory_space<vmem>>
        %dma_start3A_266 = arith.constant 0 : i32
        %dma_start3A_267 = tpu.memref_slice %arg6[%add3A_260, %dma_start3A_266] : memref<48x128xi32, #tpu.memory_space<vmem>> -> memref<1x128xi32, #tpu.memory_space<vmem>>
        %dma_start3A_268 = tpu.memref_squeeze %dma_start3A_267 : memref<1x128xi32, #tpu.memory_space<vmem>> -> memref<128xi32, #tpu.memory_space<vmem>>
        %dma_start3A_269 = arith.constant 0 : i32
        %dma_start3A_270 = arith.constant 0 : i32
        %dma_start3A_271 = tpu.memref_slice %arg2[%dma_start3A_269, %dma_start3A_270] : memref<10000x128xf32, #tpu.memory_space<hbm>> -> memref<10000x128xf32, #tpu.memory_space<hbm>>
        tpu.enqueue_indirect_dma source(%dma_start3A_271 : memref<10000x128xf32, #tpu.memory_space<hbm>>) target(%dma_start3A_265 : memref<128x128xf32, #tpu.memory_space<vmem>>) offsets(%dma_start3A_268 : memref<128xi32, #tpu.memory_space<vmem>>) semaphore(%arg11 : memref<!tpu.dma_semaphore, #tpu.memory_space<semaphore_mem>>)
      }
      %while3A_99 = arith.constant 1 : i32
      scf.for %while3A_173 = %while3A_97 to %while3A_93 step %while3A_99  : i32 {
        %mul3A_174 = arith.muli %while3A_173, %while3A : i32
        %add3A_175 = arith.addi %while3A_90, %mul3A_174 : i32
        %add3A_176 = arith.constant 0 : i32
        %add3A_177 = arith.addi %add3A_175, %add3A_176 : i32
        %dma_wait3A_178 = arith.constant 0 : i32
        %dma_wait3A_179 = arith.constant 0 : i32
        %dma_wait3A_180 = arith.constant 0 : i32
        %dma_wait3A_181 = tpu.memref_slice %arg8[%dma_wait3A_178, %dma_wait3A_179, %dma_wait3A_180] : memref<2x128x128xf32, #tpu.memory_space<vmem>> -> memref<1x128x128xf32, #tpu.memory_space<vmem>>
        %dma_wait3A_182 = tpu.memref_squeeze %dma_wait3A_181 : memref<1x128x128xf32, #tpu.memory_space<vmem>> -> memref<128x128xf32, #tpu.memory_space<vmem>>
        %dma_wait3A_183 = arith.constant 0 : i32
        %dma_wait3A_184 = tpu.memref_slice %arg6[%add3A_177, %dma_wait3A_183] : memref<48x128xi32, #tpu.memory_space<vmem>> -> memref<1x128xi32, #tpu.memory_space<vmem>>
        %dma_wait3A_185 = tpu.memref_squeeze %dma_wait3A_184 : memref<1x128xi32, #tpu.memory_space<vmem>> -> memref<128xi32, #tpu.memory_space<vmem>>
        %dma_wait3A_186 = arith.constant 0 : i32
        %dma_wait3A_187 = arith.constant 0 : i32
        %dma_wait3A_188 = tpu.memref_slice %arg2[%dma_wait3A_186, %dma_wait3A_187] : memref<10000x128xf32, #tpu.memory_space<hbm>> -> memref<10000x128xf32, #tpu.memory_space<hbm>>
        tpu.wait_indirect_dma semaphore(%arg10 : memref<!tpu.dma_semaphore, #tpu.memory_space<semaphore_mem>>) src(%dma_wait3A_188 : memref<10000x128xf32, #tpu.memory_space<hbm>>) dst(%dma_wait3A_182 : memref<128x128xf32, #tpu.memory_space<vmem>>)
        %dma_start3A_189 = arith.constant 0 : i32
        %dma_start3A_190 = arith.constant 0 : i32
        %dma_start3A_191 = arith.constant 0 : i32
        %dma_start3A_192 = tpu.memref_slice %arg8[%dma_start3A_189, %dma_start3A_190, %dma_start3A_191] : memref<2x128x128xf32, #tpu.memory_space<vmem>> -> memref<1x128x128xf32, #tpu.memory_space<vmem>>
        %dma_start3A_193 = tpu.memref_squeeze %dma_start3A_192 : memref<1x128x128xf32, #tpu.memory_space<vmem>> -> memref<128x128xf32, #tpu.memory_space<vmem>>
        %dma_start3A_194 = arith.constant 0 : i32
        %dma_start3A_195 = tpu.memref_slice %arg7[%add3A_177, %dma_start3A_194] : memref<48x128xi32, #tpu.memory_space<vmem>> -> memref<1x128xi32, #tpu.memory_space<vmem>>
        %dma_start3A_196 = tpu.memref_squeeze %dma_start3A_195 : memref<1x128xi32, #tpu.memory_space<vmem>> -> memref<128xi32, #tpu.memory_space<vmem>>
        %dma_start3A_197 = arith.constant 0 : i32
        %dma_start3A_198 = arith.constant 0 : i32
        %dma_start3A_199 = tpu.memref_slice %arg9[%dma_start3A_197, %dma_start3A_198] : memref<10240x128xf32, #tpu.memory_space<vmem_shared>> -> memref<10240x128xf32, #tpu.memory_space<vmem_shared>>
        tpu.enqueue_indirect_dma source(%dma_start3A_193 : memref<128x128xf32, #tpu.memory_space<vmem>>) target(%dma_start3A_199 : memref<10240x128xf32, #tpu.memory_space<vmem_shared>>) offsets(%dma_start3A_196 : memref<128xi32, #tpu.memory_space<vmem>>) semaphore(%arg12 : memref<!tpu.dma_semaphore, #tpu.memory_space<semaphore_mem>>) {add = true}
        %dma_wait3A_200 = arith.constant 0 : i32
        %dma_wait3A_201 = arith.constant 0 : i32
        %dma_wait3A_202 = arith.constant 0 : i32
        %dma_wait3A_203 = tpu.memref_slice %arg8[%dma_wait3A_200, %dma_wait3A_201, %dma_wait3A_202] : memref<2x128x128xf32, #tpu.memory_space<vmem>> -> memref<1x128x128xf32, #tpu.memory_space<vmem>>
        %dma_wait3A_204 = tpu.memref_squeeze %dma_wait3A_203 : memref<1x128x128xf32, #tpu.memory_space<vmem>> -> memref<128x128xf32, #tpu.memory_space<vmem>>
        %dma_wait3A_205 = arith.constant 0 : i32
        %dma_wait3A_206 = tpu.memref_slice %arg7[%add3A_177, %dma_wait3A_205] : memref<48x128xi32, #tpu.memory_space<vmem>> -> memref<1x128xi32, #tpu.memory_space<vmem>>
        %dma_wait3A_207 = tpu.memref_squeeze %dma_wait3A_206 : memref<1x128xi32, #tpu.memory_space<vmem>> -> memref<128xi32, #tpu.memory_space<vmem>>
        %dma_wait3A_208 = arith.constant 0 : i32
        %dma_wait3A_209 = arith.constant 0 : i32
        %dma_wait3A_210 = tpu.memref_slice %arg9[%dma_wait3A_208, %dma_wait3A_209] : memref<10240x128xf32, #tpu.memory_space<vmem_shared>> -> memref<10240x128xf32, #tpu.memory_space<vmem_shared>>
        tpu.wait_indirect_dma semaphore(%arg12 : memref<!tpu.dma_semaphore, #tpu.memory_space<semaphore_mem>>) src(%dma_wait3A_204 : memref<128x128xf32, #tpu.memory_space<vmem>>) dst(%dma_wait3A_210 : memref<10240x128xf32, #tpu.memory_space<vmem_shared>>)
        %add3A_211 = arith.constant 2 : i32
        %add3A_212 = arith.addi %add3A_177, %add3A_211 : i32
        %dma_start3A_213 = arith.constant 0 : i32
        %dma_start3A_214 = arith.constant 0 : i32
        %dma_start3A_215 = arith.constant 0 : i32
        %dma_start3A_216 = tpu.memref_slice %arg8[%dma_start3A_213, %dma_start3A_214, %dma_start3A_215] : memref<2x128x128xf32, #tpu.memory_space<vmem>> -> memref<1x128x128xf32, #tpu.memory_space<vmem>>
        %dma_start3A_217 = tpu.memref_squeeze %dma_start3A_216 : memref<1x128x128xf32, #tpu.memory_space<vmem>> -> memref<128x128xf32, #tpu.memory_space<vmem>>
        %dma_start3A_218 = arith.constant 0 : i32
        %dma_start3A_219 = tpu.memref_slice %arg6[%add3A_212, %dma_start3A_218] : memref<48x128xi32, #tpu.memory_space<vmem>> -> memref<1x128xi32, #tpu.memory_space<vmem>>
        %dma_start3A_220 = tpu.memref_squeeze %dma_start3A_219 : memref<1x128xi32, #tpu.memory_space<vmem>> -> memref<128xi32, #tpu.memory_space<vmem>>
        %dma_start3A_221 = arith.constant 0 : i32
        %dma_start3A_222 = arith.constant 0 : i32
        %dma_start3A_223 = tpu.memref_slice %arg2[%dma_start3A_221, %dma_start3A_222] : memref<10000x128xf32, #tpu.memory_space<hbm>> -> memref<10000x128xf32, #tpu.memory_space<hbm>>
        tpu.enqueue_indirect_dma source(%dma_start3A_223 : memref<10000x128xf32, #tpu.memory_space<hbm>>) target(%dma_start3A_217 : memref<128x128xf32, #tpu.memory_space<vmem>>) offsets(%dma_start3A_220 : memref<128xi32, #tpu.memory_space<vmem>>) semaphore(%arg10 : memref<!tpu.dma_semaphore, #tpu.memory_space<semaphore_mem>>)
        %add3A_224 = arith.constant 1 : i32
        %add3A_225 = arith.addi %add3A_175, %add3A_224 : i32
        %dma_wait3A_226 = arith.constant 1 : i32
        %dma_wait3A_227 = arith.constant 0 : i32
        %dma_wait3A_228 = arith.constant 0 : i32
        %dma_wait3A_229 = tpu.memref_slice %arg8[%dma_wait3A_226, %dma_wait3A_227, %dma_wait3A_228] : memref<2x128x128xf32, #tpu.memory_space<vmem>> -> memref<1x128x128xf32, #tpu.memory_space<vmem>>
        %dma_wait3A_230 = tpu.memref_squeeze %dma_wait3A_229 : memref<1x128x128xf32, #tpu.memory_space<vmem>> -> memref<128x128xf32, #tpu.memory_space<vmem>>
        %dma_wait3A_231 = arith.constant 0 : i32
        %dma_wait3A_232 = tpu.memref_slice %arg6[%add3A_225, %dma_wait3A_231] : memref<48x128xi32, #tpu.memory_space<vmem>> -> memref<1x128xi32, #tpu.memory_space<vmem>>
        %dma_wait3A_233 = tpu.memref_squeeze %dma_wait3A_232 : memref<1x128xi32, #tpu.memory_space<vmem>> -> memref<128xi32, #tpu.memory_space<vmem>>
        %dma_wait3A_234 = arith.constant 0 : i32
        %dma_wait3A_235 = arith.constant 0 : i32
        %dma_wait3A_236 = tpu.memref_slice %arg2[%dma_wait3A_234, %dma_wait3A_235] : memref<10000x128xf32, #tpu.memory_space<hbm>> -> memref<10000x128xf32, #tpu.memory_space<hbm>>
        tpu.wait_indirect_dma semaphore(%arg11 : memref<!tpu.dma_semaphore, #tpu.memory_space<semaphore_mem>>) src(%dma_wait3A_236 : memref<10000x128xf32, #tpu.memory_space<hbm>>) dst(%dma_wait3A_230 : memref<128x128xf32, #tpu.memory_space<vmem>>)
        %dma_start3A_237 = arith.constant 1 : i32
        %dma_start3A_238 = arith.constant 0 : i32
        %dma_start3A_239 = arith.constant 0 : i32
        %dma_start3A_240 = tpu.memref_slice %arg8[%dma_start3A_237, %dma_start3A_238, %dma_start3A_239] : memref<2x128x128xf32, #tpu.memory_space<vmem>> -> memref<1x128x128xf32, #tpu.memory_space<vmem>>
        %dma_start3A_241 = tpu.memref_squeeze %dma_start3A_240 : memref<1x128x128xf32, #tpu.memory_space<vmem>> -> memref<128x128xf32, #tpu.memory_space<vmem>>
        %dma_start3A_242 = arith.constant 0 : i32
        %dma_start3A_243 = tpu.memref_slice %arg7[%add3A_225, %dma_start3A_242] : memref<48x128xi32, #tpu.memory_space<vmem>> -> memref<1x128xi32, #tpu.memory_space<vmem>>
        %dma_start3A_244 = tpu.memref_squeeze %dma_start3A_243 : memref<1x128xi32, #tpu.memory_space<vmem>> -> memref<128xi32, #tpu.memory_space<vmem>>
        %dma_start3A_245 = arith.constant 0 : i32
        %dma_start3A_246 = arith.constant 0 : i32
        %dma_start3A_247 = tpu.memref_slice %arg9[%dma_start3A_245, %dma_start3A_246] : memref<10240x128xf32, #tpu.memory_space<vmem_shared>> -> memref<10240x128xf32, #tpu.memory_space<vmem_shared>>
        tpu.enqueue_indirect_dma source(%dma_start3A_241 : memref<128x128xf32, #tpu.memory_space<vmem>>) target(%dma_start3A_247 : memref<10240x128xf32, #tpu.memory_space<vmem_shared>>) offsets(%dma_start3A_244 : memref<128xi32, #tpu.memory_space<vmem>>) semaphore(%arg13 : memref<!tpu.dma_semaphore, #tpu.memory_space<semaphore_mem>>) {add = true}
        %dma_wait3A_248 = arith.constant 1 : i32
        %dma_wait3A_249 = arith.constant 0 : i32
        %dma_wait3A_250 = arith.constant 0 : i32
        %dma_wait3A_251 = tpu.memref_slice %arg8[%dma_wait3A_248, %dma_wait3A_249, %dma_wait3A_250] : memref<2x128x128xf32, #tpu.memory_space<vmem>> -> memref<1x128x128xf32, #tpu.memory_space<vmem>>
        %dma_wait3A_252 = tpu.memref_squeeze %dma_wait3A_251 : memref<1x128x128xf32, #tpu.memory_space<vmem>> -> memref<128x128xf32, #tpu.memory_space<vmem>>
        %dma_wait3A_253 = arith.constant 0 : i32
        %dma_wait3A_254 = tpu.memref_slice %arg7[%add3A_225, %dma_wait3A_253] : memref<48x128xi32, #tpu.memory_space<vmem>> -> memref<1x128xi32, #tpu.memory_space<vmem>>
        %dma_wait3A_255 = tpu.memref_squeeze %dma_wait3A_254 : memref<1x128xi32, #tpu.memory_space<vmem>> -> memref<128xi32, #tpu.memory_space<vmem>>
        %dma_wait3A_256 = arith.constant 0 : i32
        %dma_wait3A_257 = arith.constant 0 : i32
        %dma_wait3A_258 = tpu.memref_slice %arg9[%dma_wait3A_256, %dma_wait3A_257] : memref<10240x128xf32, #tpu.memory_space<vmem_shared>> -> memref<10240x128xf32, #tpu.memory_space<vmem_shared>>
        tpu.wait_indirect_dma semaphore(%arg13 : memref<!tpu.dma_semaphore, #tpu.memory_space<semaphore_mem>>) src(%dma_wait3A_252 : memref<128x128xf32, #tpu.memory_space<vmem>>) dst(%dma_wait3A_258 : memref<10240x128xf32, #tpu.memory_space<vmem_shared>>)
        %add3A_259 = arith.constant 2 : i32
        %add3A_260 = arith.addi %add3A_225, %add3A_259 : i32
        %dma_start3A_261 = arith.constant 1 : i32
        %dma_start3A_262 = arith.constant 0 : i32
        %dma_start3A_263 = arith.constant 0 : i32
        %dma_start3A_264 = tpu.memref_slice %arg8[%dma_start3A_261, %dma_start3A_262, %dma_start3A_263] : memref<2x128x128xf32, #tpu.memory_space<vmem>> -> memref<1x128x128xf32, #tpu.memory_space<vmem>>
        %dma_start3A_265 = tpu.memref_squeeze %dma_start3A_264 : memref<1x128x128xf32, #tpu.memory_space<vmem>> -> memref<128x128xf32, #tpu.memory_space<vmem>>
        %dma_start3A_266 = arith.constant 0 : i32
        %dma_start3A_267 = tpu.memref_slice %arg6[%add3A_260, %dma_start3A_266] : memref<48x128xi32, #tpu.memory_space<vmem>> -> memref<1x128xi32, #tpu.memory_space<vmem>>
        %dma_start3A_268 = tpu.memref_squeeze %dma_start3A_267 : memref<1x128xi32, #tpu.memory_space<vmem>> -> memref<128xi32, #tpu.memory_space<vmem>>
        %dma_start3A_269 = arith.constant 0 : i32
        %dma_start3A_270 = arith.constant 0 : i32
        %dma_start3A_271 = tpu.memref_slice %arg2[%dma_start3A_269, %dma_start3A_270] : memref<10000x128xf32, #tpu.memory_space<hbm>> -> memref<10000x128xf32, #tpu.memory_space<hbm>>
        tpu.enqueue_indirect_dma source(%dma_start3A_271 : memref<10000x128xf32, #tpu.memory_space<hbm>>) target(%dma_start3A_265 : memref<128x128xf32, #tpu.memory_space<vmem>>) offsets(%dma_start3A_268 : memref<128xi32, #tpu.memory_space<vmem>>) semaphore(%arg11 : memref<!tpu.dma_semaphore, #tpu.memory_space<semaphore_mem>>)
      }
      %sub3A_100 = arith.constant 2 : i32
      %sub3A_101 = arith.subi %select_n3A, %sub3A_100 : i32
      %add3A_102 = arith.constant 0 : i32
      %add3A_103 = arith.addi %sub3A_101, %add3A_102 : i32
      %dma_wait3A = arith.constant 0 : i32
      %dma_wait3A_104 = arith.constant 0 : i32
      %dma_wait3A_105 = arith.constant 0 : i32
      %dma_wait3A_106 = tpu.memref_slice %arg8[%dma_wait3A, %dma_wait3A_104, %dma_wait3A_105] : memref<2x128x128xf32, #tpu.memory_space<vmem>> -> memref<1x128x128xf32, #tpu.memory_space<vmem>>
      %dma_wait3A_107 = tpu.memref_squeeze %dma_wait3A_106 : memref<1x128x128xf32, #tpu.memory_space<vmem>> -> memref<128x128xf32, #tpu.memory_space<vmem>>
      %dma_wait3A_108 = arith.constant 0 : i32
      %dma_wait3A_109 = tpu.memref_slice %arg6[%add3A_103, %dma_wait3A_108] : memref<48x128xi32, #tpu.memory_space<vmem>> -> memref<1x128xi32, #tpu.memory_space<vmem>>
      %dma_wait3A_110 = tpu.memref_squeeze %dma_wait3A_109 : memref<1x128xi32, #tpu.memory_space<vmem>> -> memref<128xi32, #tpu.memory_space<vmem>>
      %dma_wait3A_111 = arith.constant 0 : i32
      %dma_wait3A_112 = arith.constant 0 : i32
      %dma_wait3A_113 = tpu.memref_slice %arg2[%dma_wait3A_111, %dma_wait3A_112] : memref<10000x128xf32, #tpu.memory_space<hbm>> -> memref<10000x128xf32, #tpu.memory_space<hbm>>
      tpu.wait_indirect_dma semaphore(%arg10 : memref<!tpu.dma_semaphore, #tpu.memory_space<semaphore_mem>>) src(%dma_wait3A_113 : memref<10000x128xf32, #tpu.memory_space<hbm>>) dst(%dma_wait3A_107 : memref<128x128xf32, #tpu.memory_space<vmem>>)
      %dma_start3A_114 = arith.constant 0 : i32
      %dma_start3A_115 = arith.constant 0 : i32
      %dma_start3A_116 = arith.constant 0 : i32
      %dma_start3A_117 = tpu.memref_slice %arg8[%dma_start3A_114, %dma_start3A_115, %dma_start3A_116] : memref<2x128x128xf32, #tpu.memory_space<vmem>> -> memref<1x128x128xf32, #tpu.memory_space<vmem>>
      %dma_start3A_118 = tpu.memref_squeeze %dma_start3A_117 : memref<1x128x128xf32, #tpu.memory_space<vmem>> -> memref<128x128xf32, #tpu.memory_space<vmem>>
      %dma_start3A_119 = arith.constant 0 : i32
      %dma_start3A_120 = tpu.memref_slice %arg7[%add3A_103, %dma_start3A_119] : memref<48x128xi32, #tpu.memory_space<vmem>> -> memref<1x128xi32, #tpu.memory_space<vmem>>
      %dma_start3A_121 = tpu.memref_squeeze %dma_start3A_120 : memref<1x128xi32, #tpu.memory_space<vmem>> -> memref<128xi32, #tpu.memory_space<vmem>>
      %dma_start3A_122 = arith.constant 0 : i32
      %dma_start3A_123 = arith.constant 0 : i32
      %dma_start3A_124 = tpu.memref_slice %arg9[%dma_start3A_122, %dma_start3A_123] : memref<10240x128xf32, #tpu.memory_space<vmem_shared>> -> memref<10240x128xf32, #tpu.memory_space<vmem_shared>>
      tpu.enqueue_indirect_dma source(%dma_start3A_118 : memref<128x128xf32, #tpu.memory_space<vmem>>) target(%dma_start3A_124 : memref<10240x128xf32, #tpu.memory_space<vmem_shared>>) offsets(%dma_start3A_121 : memref<128xi32, #tpu.memory_space<vmem>>) semaphore(%arg12 : memref<!tpu.dma_semaphore, #tpu.memory_space<semaphore_mem>>) {add = true}
      %sub3A_125 = arith.constant 2 : i32
      %sub3A_126 = arith.subi %select_n3A, %sub3A_125 : i32
      %add3A_127 = arith.constant 1 : i32
      %add3A_128 = arith.addi %sub3A_126, %add3A_127 : i32
      %dma_wait3A_129 = arith.constant 1 : i32
      %dma_wait3A_130 = arith.constant 0 : i32
      %dma_wait3A_131 = arith.constant 0 : i32
      %dma_wait3A_132 = tpu.memref_slice %arg8[%dma_wait3A_129, %dma_wait3A_130, %dma_wait3A_131] : memref<2x128x128xf32, #tpu.memory_space<vmem>> -> memref<1x128x128xf32, #tpu.memory_space<vmem>>
      %dma_wait3A_133 = tpu.memref_squeeze %dma_wait3A_132 : memref<1x128x128xf32, #tpu.memory_space<vmem>> -> memref<128x128xf32, #tpu.memory_space<vmem>>
      %dma_wait3A_134 = arith.constant 0 : i32
      %dma_wait3A_135 = tpu.memref_slice %arg6[%add3A_128, %dma_wait3A_134] : memref<48x128xi32, #tpu.memory_space<vmem>> -> memref<1x128xi32, #tpu.memory_space<vmem>>
      %dma_wait3A_136 = tpu.memref_squeeze %dma_wait3A_135 : memref<1x128xi32, #tpu.memory_space<vmem>> -> memref<128xi32, #tpu.memory_space<vmem>>
      %dma_wait3A_137 = arith.constant 0 : i32
      %dma_wait3A_138 = arith.constant 0 : i32
      %dma_wait3A_139 = tpu.memref_slice %arg2[%dma_wait3A_137, %dma_wait3A_138] : memref<10000x128xf32, #tpu.memory_space<hbm>> -> memref<10000x128xf32, #tpu.memory_space<hbm>>
      tpu.wait_indirect_dma semaphore(%arg11 : memref<!tpu.dma_semaphore, #tpu.memory_space<semaphore_mem>>) src(%dma_wait3A_139 : memref<10000x128xf32, #tpu.memory_space<hbm>>) dst(%dma_wait3A_133 : memref<128x128xf32, #tpu.memory_space<vmem>>)
      %dma_start3A_140 = arith.constant 1 : i32
      %dma_start3A_141 = arith.constant 0 : i32
      %dma_start3A_142 = arith.constant 0 : i32
      %dma_start3A_143 = tpu.memref_slice %arg8[%dma_start3A_140, %dma_start3A_141, %dma_start3A_142] : memref<2x128x128xf32, #tpu.memory_space<vmem>> -> memref<1x128x128xf32, #tpu.memory_space<vmem>>
      %dma_start3A_144 = tpu.memref_squeeze %dma_start3A_143 : memref<1x128x128xf32, #tpu.memory_space<vmem>> -> memref<128x128xf32, #tpu.memory_space<vmem>>
      %dma_start3A_145 = arith.constant 0 : i32
      %dma_start3A_146 = tpu.memref_slice %arg7[%add3A_128, %dma_start3A_145] : memref<48x128xi32, #tpu.memory_space<vmem>> -> memref<1x128xi32, #tpu.memory_space<vmem>>
      %dma_start3A_147 = tpu.memref_squeeze %dma_start3A_146 : memref<1x128xi32, #tpu.memory_space<vmem>> -> memref<128xi32, #tpu.memory_space<vmem>>
      %dma_start3A_148 = arith.constant 0 : i32
      %dma_start3A_149 = arith.constant 0 : i32
      %dma_start3A_150 = tpu.memref_slice %arg9[%dma_start3A_148, %dma_start3A_149] : memref<10240x128xf32, #tpu.memory_space<vmem_shared>> -> memref<10240x128xf32, #tpu.memory_space<vmem_shared>>
      tpu.enqueue_indirect_dma source(%dma_start3A_144 : memref<128x128xf32, #tpu.memory_space<vmem>>) target(%dma_start3A_150 : memref<10240x128xf32, #tpu.memory_space<vmem_shared>>) offsets(%dma_start3A_147 : memref<128xi32, #tpu.memory_space<vmem>>) semaphore(%arg13 : memref<!tpu.dma_semaphore, #tpu.memory_space<semaphore_mem>>) {add = true}
      %dma_wait3A_151 = arith.constant 0 : i32
      %dma_wait3A_152 = arith.constant 0 : i32
      %dma_wait3A_153 = arith.constant 0 : i32
      %dma_wait3A_154 = tpu.memref_slice %arg8[%dma_wait3A_151, %dma_wait3A_152, %dma_wait3A_153] : memref<2x128x128xf32, #tpu.memory_space<vmem>> -> memref<1x128x128xf32, #tpu.memory_space<vmem>>
      %dma_wait3A_155 = tpu.memref_squeeze %dma_wait3A_154 : memref<1x128x128xf32, #tpu.memory_space<vmem>> -> memref<128x128xf32, #tpu.memory_space<vmem>>
      %dma_wait3A_156 = arith.constant 0 : i32
      %dma_wait3A_157 = tpu.memref_slice %arg7[%add3A_103, %dma_wait3A_156] : memref<48x128xi32, #tpu.memory_space<vmem>> -> memref<1x128xi32, #tpu.memory_space<vmem>>
      %dma_wait3A_158 = tpu.memref_squeeze %dma_wait3A_157 : memref<1x128xi32, #tpu.memory_space<vmem>> -> memref<128xi32, #tpu.memory_space<vmem>>
      %dma_wait3A_159 = arith.constant 0 : i32
      %dma_wait3A_160 = arith.constant 0 : i32
      %dma_wait3A_161 = tpu.memref_slice %arg9[%dma_wait3A_159, %dma_wait3A_160] : memref<10240x128xf32, #tpu.memory_space<vmem_shared>> -> memref<10240x128xf32, #tpu.memory_space<vmem_shared>>
      tpu.wait_indirect_dma semaphore(%arg12 : memref<!tpu.dma_semaphore, #tpu.memory_space<semaphore_mem>>) src(%dma_wait3A_155 : memref<128x128xf32, #tpu.memory_space<vmem>>) dst(%dma_wait3A_161 : memref<10240x128xf32, #tpu.memory_space<vmem_shared>>)
      %dma_wait3A_162 = arith.constant 1 : i32
      %dma_wait3A_163 = arith.constant 0 : i32
      %dma_wait3A_164 = arith.constant 0 : i32
      %dma_wait3A_165 = tpu.memref_slice %arg8[%dma_wait3A_162, %dma_wait3A_163, %dma_wait3A_164] : memref<2x128x128xf32, #tpu.memory_space<vmem>> -> memref<1x128x128xf32, #tpu.memory_space<vmem>>
      %dma_wait3A_166 = tpu.memref_squeeze %dma_wait3A_165 : memref<1x128x128xf32, #tpu.memory_space<vmem>> -> memref<128x128xf32, #tpu.memory_space<vmem>>
      %dma_wait3A_167 = arith.constant 0 : i32
      %dma_wait3A_168 = tpu.memref_slice %arg7[%add3A_128, %dma_wait3A_167] : memref<48x128xi32, #tpu.memory_space<vmem>> -> memref<1x128xi32, #tpu.memory_space<vmem>>
      %dma_wait3A_169 = tpu.memref_squeeze %dma_wait3A_168 : memref<1x128xi32, #tpu.memory_space<vmem>> -> memref<128xi32, #tpu.memory_space<vmem>>
      %dma_wait3A_170 = arith.constant 0 : i32
      %dma_wait3A_171 = arith.constant 0 : i32
      %dma_wait3A_172 = tpu.memref_slice %arg9[%dma_wait3A_170, %dma_wait3A_171] : memref<10240x128xf32, #tpu.memory_space<vmem_shared>> -> memref<10240x128xf32, #tpu.memory_space<vmem_shared>>
      tpu.wait_indirect_dma semaphore(%arg13 : memref<!tpu.dma_semaphore, #tpu.memory_space<semaphore_mem>>) src(%dma_wait3A_166 : memref<128x128xf32, #tpu.memory_space<vmem>>) dst(%dma_wait3A_172 : memref<10240x128xf32, #tpu.memory_space<vmem_shared>>)
    }
    %scan3A_25 = arith.constant 2 : i32
    %barrier3A_26 = arith.constant 0 : index
    tpu.barrier barrier_id(%barrier3A_26)
    %lt3A = arith.constant 15 : i32
    %lt3A_27 = arith.cmpi slt, %arg1, %lt3A : i32
    %convert_element_type3A = arith.extui %lt3A_27 : i1 to i32
    %cond3A = arith.constant 0 : i32
    %cond3A_28 = arith.cmpi ne, %convert_element_type3A, %cond3A : i32
    scf.if %cond3A_28 {
      "tpu.region"() ({
        %run_scoped3A_34 = tpu.sem_alloc : memref<!tpu.dma_semaphore, #tpu.memory_space<semaphore_mem>>
        %dma_start3A = arith.constant 0 : i32
        %dma_start3A_35 = tpu.memref_slice %arg5[%arg0, %mul3A_7, %dma_start3A] : memref<2x10000x128xf32, #tpu.memory_space<hbm>> -> memref<1x640x128xf32, #tpu.memory_space<hbm>>
        %dma_start3A_36 = tpu.memref_squeeze %dma_start3A_35 : memref<1x640x128xf32, #tpu.memory_space<hbm>> -> memref<640x128xf32, #tpu.memory_space<hbm>>
        %dma_start3A_37 = arith.constant 0 : i32
        %dma_start3A_38 = tpu.memref_slice %arg9[%mul3A_7, %dma_start3A_37] : memref<10240x128xf32, #tpu.memory_space<vmem_shared>> -> memref<640x128xf32, #tpu.memory_space<vmem_shared>>
        tpu.enqueue_dma source(%dma_start3A_38 : memref<640x128xf32, #tpu.memory_space<vmem_shared>>) target(%dma_start3A_36 : memref<640x128xf32, #tpu.memory_space<hbm>>) target_semaphore(%run_scoped3A_34 : memref<!tpu.dma_semaphore, #tpu.memory_space<semaphore_mem>>)
        %dma_wait3A = arith.constant 0 : i32
        %dma_wait3A_39 = tpu.memref_slice %arg5[%arg0, %mul3A_7, %dma_wait3A] : memref<2x10000x128xf32, #tpu.memory_space<hbm>> -> memref<1x640x128xf32, #tpu.memory_space<hbm>>
        %dma_wait3A_40 = tpu.memref_squeeze %dma_wait3A_39 : memref<1x640x128xf32, #tpu.memory_space<hbm>> -> memref<640x128xf32, #tpu.memory_space<hbm>>
        %dma_wait3A_41 = arith.constant 0 : i32
        %dma_wait3A_42 = tpu.memref_slice %arg9[%mul3A_7, %dma_wait3A_41] : memref<10240x128xf32, #tpu.memory_space<vmem_shared>> -> memref<640x128xf32, #tpu.memory_space<vmem_shared>>
        tpu.wait_dma2 semaphore(%run_scoped3A_34 : memref<!tpu.dma_semaphore, #tpu.memory_space<semaphore_mem>>) src(%dma_wait3A_42 : memref<640x128xf32, #tpu.memory_space<vmem_shared>>) dst(%dma_wait3A_40 : memref<640x128xf32, #tpu.memory_space<hbm>>)
        tpu.yield
      }) : () -> ()
    } else {
    }
    %eq3A_29 = arith.constant 15 : i32
    %eq3A_30 = arith.cmpi eq, %arg1, %eq3A_29 : i32
    %convert_element_type3A_31 = arith.extui %eq3A_30 : i1 to i32
    %cond3A_32 = arith.constant 0 : i32
    %cond3A_33 = arith.cmpi ne, %convert_element_type3A_31, %cond3A_32 : i32
    scf.if %cond3A_33 {
      "tpu.region"() ({
        %run_scoped3A_34 = tpu.sem_alloc : memref<!tpu.dma_semaphore, #tpu.memory_space<semaphore_mem>>
        %dma_start3A = arith.constant 9600 : i32
        %dma_start3A_35 = arith.constant 0 : i32
        %dma_start3A_36 = tpu.memref_slice %arg5[%arg0, %dma_start3A, %dma_start3A_35] : memref<2x10000x128xf32, #tpu.memory_space<hbm>> -> memref<1x400x128xf32, #tpu.memory_space<hbm>>
        %dma_start3A_37 = tpu.memref_squeeze %dma_start3A_36 : memref<1x400x128xf32, #tpu.memory_space<hbm>> -> memref<400x128xf32, #tpu.memory_space<hbm>>
        %dma_start3A_38 = arith.constant 9600 : i32
        %dma_start3A_39 = arith.constant 0 : i32
        %dma_start3A_40 = tpu.memref_slice %arg9[%dma_start3A_38, %dma_start3A_39] : memref<10240x128xf32, #tpu.memory_space<vmem_shared>> -> memref<400x128xf32, #tpu.memory_space<vmem_shared>>
        tpu.enqueue_dma source(%dma_start3A_40 : memref<400x128xf32, #tpu.memory_space<vmem_shared>>) target(%dma_start3A_37 : memref<400x128xf32, #tpu.memory_space<hbm>>) target_semaphore(%run_scoped3A_34 : memref<!tpu.dma_semaphore, #tpu.memory_space<semaphore_mem>>)
        %dma_wait3A = arith.constant 9600 : i32
        %dma_wait3A_41 = arith.constant 0 : i32
        %dma_wait3A_42 = tpu.memref_slice %arg5[%arg0, %dma_wait3A, %dma_wait3A_41] : memref<2x10000x128xf32, #tpu.memory_space<hbm>> -> memref<1x400x128xf32, #tpu.memory_space<hbm>>
        %dma_wait3A_43 = tpu.memref_squeeze %dma_wait3A_42 : memref<1x400x128xf32, #tpu.memory_space<hbm>> -> memref<400x128xf32, #tpu.memory_space<hbm>>
        %dma_wait3A_44 = arith.constant 9600 : i32
        %dma_wait3A_45 = arith.constant 0 : i32
        %dma_wait3A_46 = tpu.memref_slice %arg9[%dma_wait3A_44, %dma_wait3A_45] : memref<10240x128xf32, #tpu.memory_space<vmem_shared>> -> memref<400x128xf32, #tpu.memory_space<vmem_shared>>
        tpu.wait_dma2 semaphore(%run_scoped3A_34 : memref<!tpu.dma_semaphore, #tpu.memory_space<semaphore_mem>>) src(%dma_wait3A_46 : memref<400x128xf32, #tpu.memory_space<vmem_shared>>) dst(%dma_wait3A_43 : memref<400x128xf32, #tpu.memory_space<hbm>>)
        tpu.yield
      }) : () -> ()
    } else {
    }
    return
  }
}

module attributes {stable_mosaic.version = 14 : i64} {
  func.func @_add_kernel(%arg0: i32, %arg1: memref<1000x128xf32, #tpu.memory_space<vmem>>, %arg2: memref<1000x128xf32, #tpu.memory_space<vmem>>, %arg3: memref<1000x128xf32, #tpu.memory_space<vmem>>) attributes {dimension_semantics = [#tpu.dimension_semantics<arbitrary>], iteration_bounds = array<i64: 10>, scalar_prefetch = 0 : i64, scratch_operands = 0 : i64, tpu.core_type = #tpu.core_type<tc>, window_params = [{transform_indices = @transform_0, window_bounds = array<i64: 1000, 128>}, {transform_indices = @transform_1, window_bounds = array<i64: 1000, 128>}, {transform_indices = @transform_2, window_bounds = array<i64: 1000, 128>}]} {
    %get3A = arith.constant 0 : index
    %get3A_0 = arith.constant 0 : index
    %get3A_1 = vector.load %arg1[%get3A, %get3A_0] : memref<1000x128xf32, #tpu.memory_space<vmem>>, vector<1000x128xf32>
    %get3A_2 = arith.constant 0 : index
    %get3A_3 = arith.constant 0 : index
    %get3A_4 = vector.load %arg2[%get3A_2, %get3A_3] : memref<1000x128xf32, #tpu.memory_space<vmem>>, vector<1000x128xf32>
    %add3A = arith.addf %get3A_1, %get3A_4 : vector<1000x128xf32>
    %swap3A = arith.constant 0 : index
    %swap3A_5 = arith.constant 0 : index
    %swap3A_6 = vector.load %arg3[%swap3A, %swap3A_5] : memref<1000x128xf32, #tpu.memory_space<vmem>>, vector<1000x128xf32>
    tpu.vector_store %arg3[%swap3A, %swap3A_5], %add3A {strides = array<i32>} : memref<1000x128xf32, #tpu.memory_space<vmem>>, vector<1000x128xf32>,
    return
  }
  func.func @transform_0(%arg0: i32) -> (i32, i32) {
    %c0_i32 = arith.constant 0 : i32
    %c0_i32_0 = arith.constant 0 : i32
    return %arg0, %c0_i32 : i32, i32
  }
  func.func @transform_1(%arg0: i32) -> (i32, i32) {
    %c0_i32 = arith.constant 0 : i32
    %c0_i32_0 = arith.constant 0 : i32
    return %arg0, %c0_i32 : i32, i32
  }
  func.func @transform_2(%arg0: i32) -> (i32, i32) {
    %c0_i32 = arith.constant 0 : i32
    %c0_i32_0 = arith.constant 0 : i32
    return %arg0, %c0_i32 : i32, i32
  }
}

</mosaic_0001>

<sc_bundles>
// kernel: kernel.4.cloned.1.call-start
scs
__scs_entry_jumppad:
0x0: {  	(pc) =	sbr.rel $0x88, $3  }
0x1: {  	(tag) =	ssettag $0x0;
	lr =	simm.s32 $0x1  }
0x2: {  	[smem:$0x3F9F] =	sst lr;
	_ =	strace $0xD0000000  }
0x3: {  	_ = 	snop  }
0x4: {  	_ = 	snop  }
0x5: {  	_ = 	snop  }
0x6: {  	_ = 	snop  }
0x7: {  	_ = 	snop  }
__scs_overlays_trampoline_lowered:
0x8: {  	[smem:$0x3FAE] =	sst s0  }
0x9: {  	[smem:$0x3FAF] =	sst s1  }
0xa: {  	[smem:$0x3FB0] =	sst s2  }
0xb: {  	[smem:$0x3FB1] =	sst s3  }
0xc: {  	[smem:$0x3FB2] =	sst s4  }
0xd: {  	[smem:$0x3FB3] =	sst s5  }
0xe: {  	[smem:$0x3FB4] =	sst s6  }
0xf: {  	[smem:$0x3FB5] =	sst s7  }
0x10: {  	[smem:$0x3FB6] =	sst s8  }
0x11: {  	[smem:$0x3FB7] =	sst s9;
	s0 =	simm.s32 @!p0 $0x0  }
0x12: {  	s1 =	sld [smem:$0x3F9D];
	s0 =	simm.s32 @p0 $0x1  }
0x13: {  	[smem:$0x3FB8] =	sst s0;
	s0 =	simm.s32 @!p1 $0x0  }
0x14: {  	s2 =	sld [smem:$0x3F9C];
	s0 =	simm.s32 @p1 $0x1  }
0x15: {  	[smem:$0x3FB9] =	sst s0;
	s0 =	simm.s32 @!p2 $0x0  }
0x16: {  	s3 =	sld [smem:$0x3FDB];
	s0 =	simm.s32 @p2 $0x1  }
0x17: {  	s4 =	simm.s32 $0x1BF5;
	[smem:$0x3FBB] =	sst s0  }
0x18: {  	s0 =	sld [smem:$0x3F9E];
	_ =	swait.ge [sflag:s4], $0x0  }
0x19: {  	s7 =	sld [smem:$0x3F9F]  }
0x1a: {  	s8 =	sadd.s32 $0xFFFFE003, lr  }
0x1b: {  	s9 =	sadd.s32 $0xFFFFFEF7, lr;
	s5 =	simm.s32 $0xFFFFFFFF;
	p2 =	slt.u32 s8, $0xFFFFF086  }
0x1c: {  	p1 =	slt.u32 s9, $0xF7A;
	s5 =	simm.s32 @!p2 $0x0  }
0x1d: {  	s5 =	simm.s32 @p1 $0x1;
	p0 =	seq.s32 s7, s2  }
0x1e: {  	s7 =	smul.u32 @!p0 $0xF7A, s2;
	p2 =	seq.s32 @!p0 s5, $0x0  }
0x1f: {  	s9 =	smul.u32 $0xF7A, s1;
	s8 =	simm.s32 @!p0 $0x1BF5;
	p2 =	por !p2, p0  }
0x20: {  	[sflag:s8] =	ssyncset.s32 @!p0 $0xFFFFF086;
	s6 =	sadd.s32 @!p0 s3, s7;
	s7 =	simm.s32 @!p0 $0x108  }
0x21: {  	s3 =	sadd.s32 s3, s9;
	s6 =	sadd.s32 @!p0 $0x88, s6;
	s7 =	simm.s32 @p2 $0x1082  }
0x22: {  	[simem:s7], [sflag:s8] =	dma.local @!p0 [hbm:s6], $0xF7A  }
0x23: {  	s9 =	sor.u32 $0xD0000000, s2;
	s6 =	simm.s32 $0x108;
	_ =	swait.ge @!p0 [sflag:s8], $0x0  }
0x24: {  	s3 =	sadd.s32 $0x88, s3;
	s6 =	simm.s32 @!p1 $0x1082;
	[sflag:s4] =	ssyncset.s32 $0xFFFFF086  }
0x25: {  	[simem:s6], [sflag:s4] =	dma.local [hbm:s3], $0xF7A  }
0x26: {  	[smem:$0x3F9F] =	sst s1;
	(tag) =	ssettag s2;
	_ =	strace s9  }
0x27: {  	s1 =	sld [smem:$0x3FAF]  }
0x28: {  	s2 =	sld [smem:$0x3FB0]  }
0x29: {  	s4 =	sld [smem:$0x3FB2]  }
0x2a: {  	p0 =	seq.s32 s5, $0x0;
	s5 =	sld [smem:$0x3FB3]  }
0x2b: {  	s6 =	sld [smem:$0x3FB4]  }
0x2c: {  	s7 =	sld [smem:$0x3FB5]  }
0x2d: {  	s3 =	simm.s32 $0x108;
	s8 =	sld [smem:$0x3FB6]  }
0x2e: {  	s3 =	simm.s32 @!p0 $0x1082;
	s9 =	sld [smem:$0x3FB7]  }
0x2f: {  	lr =	sadd.s32 s0, s3;
	s0 =	sld [smem:$0x3FAE]  }
0x30: {  	s3 =	sld [smem:$0x3FB1]  }
0x31: {  	[smem:$0x3FBA] =	sst s10  }
0x32: {  	s10 =	sld [smem:$0x3FB8];
	_ =	sdelay $0x3  }
0x33: {  	p0 =	seq.s32 s10, $0x1;
	s10 =	sld [smem:$0x3FBA];
	_ =	sdelay $0x3  }
0x34: {  	[smem:$0x3FBA] =	sst s10  }
0x35: {  	s10 =	sld [smem:$0x3FB9];
	_ =	sdelay $0x3  }
0x36: {  	p1 =	seq.s32 s10, $0x1;
	s10 =	sld [smem:$0x3FBA];
	_ =	sdelay $0x3  }
0x37: {  	[smem:$0x3FBA] =	sst s10  }
0x38: {  	s10 =	sld [smem:$0x3FBB]  }
0x39: {  	_ = 	snop;
	(pc) =	sbr.ind lr, $3  }
0x3a: {  	_ = 	snop  }
0x3b: {  	_ = 	snop  }
0x3c: {  	p2 =	seq.s32 s10, $0x1;
	s10 =	sld [smem:$0x3FBA]  }
0x3d: {  	_ =	shalt  }
0x3e: {  	_ =	shalt  }
0x3f: {  	_ =	shalt  }
0x40: {  	_ =	shalt  }
0x41: {  	_ =	shalt  }
0x42: {  	_ =	shalt  }
0x43: {  	_ =	shalt  }
0x44: {  	_ =	shalt  }
0x45: {  	_ =	shalt  }
0x46: {  	_ =	shalt  }
0x47: {  	_ =	shalt  }
0x48: {  	_ =	shalt  }
0x49: {  	_ =	shalt  }
0x4a: {  	_ =	shalt  }
0x4b: {  	_ =	shalt  }
0x4c: {  	_ =	shalt  }
0x4d: {  	_ =	shalt  }
0x4e: {  	_ =	shalt  }
0x4f: {  	_ =	shalt  }
0x50: {  	_ =	shalt  }
0x51: {  	_ =	shalt  }
0x52: {  	_ =	shalt  }
0x53: {  	_ =	shalt  }
0x54: {  	_ =	shalt  }
0x55: {  	_ =	shalt  }
0x56: {  	_ =	shalt  }
0x57: {  	_ =	shalt  }
0x58: {  	_ =	shalt  }
0x59: {  	_ =	shalt  }
0x5a: {  	_ =	shalt  }
0x5b: {  	_ =	shalt  }
0x5c: {  	_ =	shalt  }
0x5d: {  	_ =	shalt  }
0x5e: {  	_ =	shalt  }
0x5f: {  	_ =	shalt  }
0x60: {  	_ =	shalt  }
0x61: {  	_ =	shalt  }
0x62: {  	_ =	shalt  }
0x63: {  	_ =	shalt  }
0x64: {  	_ =	shalt  }
0x65: {  	_ =	shalt  }
0x66: {  	_ =	shalt  }
0x67: {  	_ =	shalt  }
0x68: {  	_ =	shalt  }
0x69: {  	_ =	shalt  }
0x6a: {  	_ =	shalt  }
0x6b: {  	_ =	shalt  }
0x6c: {  	_ =	shalt  }
0x6d: {  	_ =	shalt  }
0x6e: {  	_ =	shalt  }
0x6f: {  	_ =	shalt  }
0x70: {  	_ =	shalt  }
0x71: {  	_ =	shalt  }
0x72: {  	_ =	shalt  }
0x73: {  	_ =	shalt  }
0x74: {  	_ =	shalt  }
0x75: {  	_ =	shalt  }
0x76: {  	_ =	shalt  }
0x77: {  	_ =	shalt  }
0x78: {  	_ =	shalt  }
0x79: {  	_ =	shalt  }
0x7a: {  	_ =	shalt  }
0x7b: {  	_ =	shalt  }
0x7c: {  	_ =	shalt  }
0x7d: {  	_ =	shalt  }
0x7e: {  	_ =	shalt  }
0x7f: {  	_ =	shalt  }
0x80: {  	_ =	shalt  }
0x81: {  	_ =	shalt  }
0x82: {  	_ =	shalt  }
0x83: {  	_ =	shalt  }
0x84: {  	_ =	shalt  }
0x85: {  	_ =	shalt  }
0x86: {  	_ =	shalt  }
0x87: {  	_ =	shalt  }
.Lfunc_end0:
.L_simem_size_0:
called_computation_lowered:
.L_overlay_start_0:
0x88: {  	s2 =	sld [smem:$0x3FD9]  }
0x89: {  	s3 =	sld [smem:$0x3FFE];
	_ =	sdelay $0x1  }
0x8a: {  	s1 =	srdreg.scid  }
0x8b: {  	s0 =	sand.u32 $0x1, s1  }
0x8c: {  	s17 =	sshll.u32 s0, $0xA;
	s2 =	sadd.s32 s3, s2  }
0x8d: {  	s2 =	sadd.s32 s2, s17  }
0x8e: {  	[smem:$0x3FC6] =	sst s2  }
0x8f: {  	_ = 	snop  }
0x90: {  	s2 =	sld [smem:$0x3FC9]  }
0x91: {  	s18 =	sld [smem:$0x3FD0];
	(tm) =	ssettm $0x1  }
0x92: {  	s4 =	sld [smem:$0x3FFB];
	_ =	sdelay $0x3  }
0x93: {  	_ =	strace s4  }
0x94: {  	s4 =	sld [smem:$0x3FFC];
	_ =	sdelay $0x3  }
0x95: {  	_ =	strace s4  }
0x96: {  	s4 =	sld [smem:$0x3FFD];
	_ =	sdelay $0x3  }
0x97: {  	_ =	strace s4  }
0x98: {  	_ =	strace $0x8FFFFFFF  }
0x99: {  	s19 =	sld [smem:$0x3FDB];
	_ =	sdelay $0x1  }
0x9a: {  	s5 =	simm.s32 $_scs_section_size  }
0x9b: {  	s6 =	simm.s32 $_size__tile_overlayer_lowered;
	s7 =	simm.s32 $_tile_overlayer_lowered  }
0x9c: {  	s22 =	simm.s32 $0x1BFF;
	s21 =	sshll.u32 s7, $0x1;
	s4 =	sadd.s32 s5, s19  }
0x9d: {  	s8 =	simm.s32 $0x0;
	s20 =	sshll.u32 s6, $0x1;
	s6 =	sadd.s32 s21, s4  }
0x9e: {  	[timem:s8], [sflag:s22] =	dma.local [hbm:s6], s20  }
0x9f: {  	_ =	swait.ge [sflag:s22], s20  }
0xa0: {  	s5 =	ssub.s32 $0x0, s20;
	[sflag:s22] =	ssyncset.done $0x0  }
0xa1: {  	[sflag:s22] =	ssyncadd.s32 s5;
	_ =	sdelay $0x1  }
0xa2: {  	s23 =	simm.s32 $0x1B8B  }
0xa3: {  	_ =	swait.ge [sflag:s23], $0x1  }
0xa4: {  	[sflag:s23] =	ssyncset.done $0x0  }
0xa5: {  	s25 =	simm.s32 $0x1B8E;
	s24 =	sld [smem:$0x3FFE];
	[sflag:s23] =	ssyncadd.s32 $0xFFFFFFFF  }
0xa6: {  	s26 =	simm.s32 $execute0_lowered;
	[smem:$0x3FD2] =	sst s25  }
0xa7: {  	s6 =	sshll.u32 s26, $0x1;
	_ =	strace $0x80000046;
	[dreg:$0x1] =	wrdreg $0xFFFFFFFF  }
0xa8: {  	s28 =	simm.s32 $_size_execute0_lowered;
	s4 =	sadd.s32 s4, s6;
	[dreg:$0x0] =	wrdreg $0x0  }
0xa9: {  	s6 =	sshll.u32 s28, $0x1;
	[dreg:$0x2] =	wrdreg s4  }
0xaa: {  	[dreg:$0x3] =	wrdreg s6  }
0xab: {  	[dreg:$0x4] =	wrdreg $0xC0  }
0xac: {  	_ =	task [dreg:s8], $0x5FFFF  }
0xad: {  	[dreg:$0x1] =	wrdreg $0xFFFFFFFF  }
0xae: {  	[dreg:$0x0] =	wrdreg $0x60  }
0xaf: {  	[dreg:$0x2] =	wrdreg s2  }
0xb0: {  	[dreg:$0x3] =	wrdreg s24  }
0xb1: {  	[dreg:$0x4] =	wrdreg s18  }
0xb2: {  	[dreg:$0x5] =	wrdreg $0xB0000  }
0xb3: {  	[dreg:$0x6] =	wrdreg $0x9  }
0xb4: {  	_ =	task.clear_ibuf [dreg:s8], $0x7FFFF;
	_ =	strace $0x90000046  }
0xb5: {  	s29 =	simm.s32 $0x9;
	_ =	strace $0x80000048  }
0xb6: {  	_ =	swait.ge [sflag:s29], $0x1  }
0xb7: {  	[sflag:s29] =	ssyncadd.s32 $0xFFFFFFFF  }
0xb8: {  	_ =	strace $0x90000048  }
0xb9: {  	_ =	sfence  }
0xba: {  	s30 =	sld [smem:$0x0];
	_ =	sdelay $0x2  }
0xbb: {  	s31 =	sshll.u32 s1, $0xD;
	s1 =	sshrl.u32 s1, $0x2  }
0xbc: {  	s3 =	sand.u32 $0x4000, s31;
	s1 =	sadd.s32 s1, s30  }
0xbd: {  	s0 =	sor.u32 s3, s0;
	s1 =	sshll.u32 s1, $0x11  }
0xbe: {  	s0 =	sor.u32 s1, s0  }
0xbf: {  	s0 =	sadd.s32 $0x8F2B, s0  }
0xc0: {  	[sflag:s0] =	ssyncadd.remote.s32 $0x1  }
0xc1: {  	_ =	sfence.sel $0xFFFF  }
0xc2: {  	[dreg:$0x0] =	wrdreg $0xFFFFFFFF;
	(pc) =	sbr.abs _section_cstart, $3  }
0xc3: {  	[dreg:$0x1] =	wrdreg $0xFFFFFFFF  }
0xc4: {  	_ =	task.clear_ibuf [dreg:s8], $0x2FFFF;
	_ =	strace $0x9FFFFFFF  }
0xc5: {  	(tm) =	ssettm $0x7FFFFFFF  }
tec
execute0_lowered:
.L_overlay_start_1:
0x0: {  	(tag) =	ssettag $0x1  }
0x1: {  	s1 =	rddreg [dreg:$0x0]  }
0x2: {  	s0 =	rddreg [dreg:$0x1]  }
0x3: {  	s2 =	rddreg [dreg:$0x2]  }
0x4: {  	s3 =	rddreg [dreg:$0x3]  }
0x5: {  	s4 =	srdreg.scid;
	s5 =	simm.s32 $0x0;
	s24 =	stileid.u32  }
0x6: {  	s28 =	simm.s32 $0x2;
	s29 =	simm.s32 $0x4;
	s6 =	smul.u32 $0x50000, s24  }
0x7: {  	s30 =	simm.s32 $0x0;
	s4 =	sand.u32 $0x1, s4;
	s14 =	smul.u32 $0x14000, s24  }
0x8: {  	[smem:$0x7FF] =	sst s5;
	s7 =	sadd.s32 $0xA000, s0;
	s15 =	smul.u32 $0x50, s24  }
0x9: {  	p2 =	seq.s32 s24, $0xF;
	s24 =	simm.s32 $0x1;
	s16 =	ssub.s32 $0x2, s4  }
0xa: {  	_ =	strace $0x80000047;
	s9 =	ssub.s32 $0x0, s4;
	p0 =	seq.s32 s4, $0x0  }
0xb: {  	s13 =	smul.u32 $0x138800, s4;
	p1 =	sne.s32 s4, $0x0;
	s8 =	sshrl.u32 s16, $0x1  }
0xc: {  	s17 =	sshrl.u32 s6, $0x2;
	s6 =	simm.s32 $0x30;
	s9 =	sand.u32 $0x30, s9  }
0xd: {  	s8 =	ssub.s32 s16, s8;
	s5 =	sadd.s32 s17, s3;
	s6 =	simm.s32 @!p0 $0x20  }
0xe: {  	s14 =	sadd.s32 s14, s13;
	s23 =	sshrl.u32 s13, $0x3;
	s26 =	sadd.s32 s9, s15  }
0xf: {  	s10 =	sadd.s32 $0x4000, s5;
	s18 =	sadd.s32 $0x8000, s5;
	s19 =	sadd.s32 $0xC000, s5  }
0x10: {  	s20 =	sadd.s32 $0x10000, s5;
	s12 =	sadd.s32 $0xFFFFFFFF, s6;
	[dreg:$0x5] =	wrdreg s10  }
0x11: {  	s6 =	sshll.u32 s6, $0x7;
	s22 =	sshrl.u32 s14, $0x3;
	[dreg:$0x6] =	wrdreg s18  }
0x12: {  	s25 =	sadd.s32 s7, s23;
	s15 =	smax.u32 s8, $0x1;
	[dreg:$0x7] =	wrdreg s19  }
0x13: {  	s23 =	simm.s32 $0x7000;
	[dreg:$0x8] =	wrdreg s20;
	s10 =	sshrl.u32 s12, $0x1  }
0x14: {  	s11 =	sadd.s32 $0x1700, s6;
	s21 =	sshll.u32 s12, $0x7;
	s6 =	sadd.s32 s7, s22  }
0x15: {  	s14 =	sadd.s32 $0x25800, s25;
	s7 =	sshll.u32 s26, $0x4;
	s20 =	simm.s32 $0x3000  }
0x16: {  	s22 =	simm.s32 $0x80;
	s26 =	simm.s32 $0x3;
	s12 =	sadd.s32 $0x1800, s21  }
0x17: {  	[dreg:$0x9] =	wrdreg s6;
	s6 =	sadd.s32 $0x12C000, s3;
	s16 =	sadd.s32 s0, s7  }
0x18: {  	s31 =	sadd.s32 $0x5000, s7;
	s17 =	sadd.s32 s2, s7;
	s21 =	simm.s32 $0x5  }
0x19: {  	v0 =	vimm.f32 $0.0e+00;
	s18 =	sadd.s32 s0, s31;
	s19 =	sadd.s32 s2, s31;
	s25 =	sshrl.u32 @p2 s6, $0x3  }
.LBB2_1:
0x1a: {  	s0 =	simm.s32 $0x0;
	s2 =	simm.s32 $0x200  }
.LBB2_2:
0x1b: {  	p3 =	sne.s32 s2, $0xFE00;
	[tilespmem:s0+$0x3070] =	vst v0  }
0x1c: {  	[tilespmem:s0+$0x3000] =	vst v0  }
0x1d: {  	[tilespmem:s0+$0x3010] =	vst v0  }
.Ltmp0:
0x1e: {  	[tilespmem:s0+$0x3020] =	vst v0;
	(pc) =	sbr.rel @p3 .LBB2_2-.Ltmp0, $4  }
0x1f: {  	[tilespmem:s0+$0x3030] =	vst v0  }
0x20: {  	[tilespmem:s0+$0x3040] =	vst v0  }
0x21: {  	[tilespmem:s0+$0x3050] =	vst v0  }
0x22: {  	[tilespmem:s0+$0x3060] =	vst v0;
	s0 =	sshra.s32 s2, $0x2;
	s2 =	sadd.s32 $0x200, s2  }
0x23: {  	[tilespmem:s0+$0x3070] =	vst v0  }
0x24: {  	[tilespmem:s0+$0x3000] =	vst v0  }
0x25: {  	[tilespmem:s0+$0x3010] =	vst v0  }
0x26: {  	[tilespmem:s0+$0x3020] =	vst v0  }
0x27: {  	[tilespmem:s0+$0x3030] =	vst v0  }
0x28: {  	[tilespmem:s0+$0x3040] =	vst v0  }
0x29: {  	[tilespmem:s0+$0x3050] =	vst v0  }
0x2a: {  	[tilespmem:s0+$0x3060] =	vst v0  }
0x2b: {  	[spmem:s5] =	stream.linear.scatter [tilespmem:s20], [sflag:$0x5], $0x4000, $0x38;
	[tilespmem:$0x1F000] =	vst v63  }
0x2c: {  	_ =	swait.ge [sflag:s21], $0x4000  }
0x2d: {  	[sflag:s21] =	ssyncset.done $0x0  }
0x2e: {  	s6 =	rddreg [dreg:$0x5];
	[sflag:s21] =	ssyncadd.s32 $0xFFFFC000  }
0x2f: {  	[spmem:s6] =	stream.linear.scatter [tilespmem:s20], [sflag:$0x5], $0x4000, $0x38;
	[tilespmem:$0x1F000] =	vst v63  }
0x30: {  	_ =	swait.ge [sflag:s21], $0x4000  }
0x31: {  	[sflag:s21] =	ssyncset.done $0x0  }
0x32: {  	s7 =	rddreg [dreg:$0x6];
	[sflag:s21] =	ssyncadd.s32 $0xFFFFC000  }
0x33: {  	[spmem:s7] =	stream.linear.scatter [tilespmem:s20], [sflag:$0x5], $0x4000, $0x38;
	[tilespmem:$0x1F000] =	vst v63  }
0x34: {  	_ =	swait.ge [sflag:s21], $0x4000  }
0x35: {  	[sflag:s21] =	ssyncset.done $0x0  }
0x36: {  	s8 =	rddreg [dreg:$0x7];
	[sflag:s21] =	ssyncadd.s32 $0xFFFFC000  }
0x37: {  	[spmem:s8] =	stream.linear.scatter [tilespmem:s20], [sflag:$0x5], $0x4000, $0x38;
	[tilespmem:$0x1F000] =	vst v63  }
0x38: {  	_ =	swait.ge [sflag:s21], $0x4000  }
0x39: {  	[sflag:s21] =	ssyncset.done $0x0  }
0x3a: {  	s9 =	rddreg [dreg:$0x8];
	[sflag:s21] =	ssyncadd.s32 $0xFFFFC000  }
0x3b: {  	[spmem:s9] =	stream.linear.scatter [tilespmem:s20], [sflag:$0x5], $0x4000, $0x38;
	[tilespmem:$0x1F000] =	vst v63  }
0x3c: {  	_ =	swait.ge [sflag:s21], $0x4000  }
0x3d: {  	[sflag:s21] =	ssyncset.done $0x0  }
0x3e: {  	[sflag:s21] =	ssyncadd.s32 $0xFFFFC000  }
0x3f: {  	s0 =	simm.s32 @p1 $0x0;
	s2 =	simm.s32 @p1 $0x5;
	[bflag:$0x0] =	sbarrier.arrive $0xFFFF  }
0x40: {  	[tilespmem:s0], [sflag:$0x5] =	stream.linear.gather @p1 [hbm4b:s16+s0], $0x1000, $0x38;
	[tilespmem:$0x1F000] =	vst v63  }
0x41: {  	_ =	swait.ge @p1 [sflag:s2], $0x1000  }
0x42: {  	[sflag:s2] =	ssyncset.done @p1 $0x0  }
0x43: {  	s4 =	simm.s32 @p1 $0x1800;
	[sflag:s2] =	ssyncadd.s32 @p1 $0xFFFFF000  }
0x44: {  	[tilespmem:s4], [sflag:$0x5] =	stream.linear.gather @p1 [hbm4b:s17+s0], $0x1000, $0x38;
	[tilespmem:$0x1F000] =	vst v63  }
0x45: {  	_ =	swait.ge @p1 [sflag:s2], $0x1000  }
0x46: {  	[sflag:s2] =	ssyncset.done @p1 $0x0  }
0x47: {  	s0 =	simm.s32 @!p1 $0x0;
	[sflag:s2] =	ssyncadd.s32 @p1 $0xFFFFF000;
	s2 =	simm.s32 @!p1 $0x5  }
0x48: {  	[tilespmem:s0], [sflag:$0x5] =	stream.linear.gather @!p1 [hbm4b:s16+s0], $0x1800, $0x38;
	[tilespmem:$0x1F000] =	vst v63  }
0x49: {  	_ =	swait.ge @!p1 [sflag:s2], $0x1800  }
0x4a: {  	[sflag:s2] =	ssyncset.done @!p1 $0x0  }
0x4b: {  	s4 =	simm.s32 @!p1 $0x1800;
	[sflag:s2] =	ssyncadd.s32 @!p1 $0xFFFFE800  }
0x4c: {  	[tilespmem:s4], [sflag:$0x5] =	stream.linear.gather @!p1 [hbm4b:s17+s0], $0x1800, $0x38;
	[tilespmem:$0x1F000] =	vst v63  }
0x4d: {  	_ =	swait.ge @!p1 [sflag:s2], $0x1800  }
0x4e: {  	[sflag:s2] =	ssyncset.done @!p1 $0x0  }
0x4f: {  	s13 =	simm.s32 $0x0;
	[sflag:s2] =	ssyncadd.s32 @!p1 $0xFFFFE800  }
0x50: {  	[tilespmem:s20], [sflag:$0x1] =	stream.indirect.gather [hbm4b:s1+s22], $0x80, s13, s22, $0xb8;
	[tilespmem:$0x1F000] =	vst v63  }
0x51: {  	_ = 	snop  }
0x52: {  	[tilespmem:s23], [sflag:$0x2] =	stream.indirect.gather [hbm4b:s1+s22], $0x80, s22, s22, $0xb8;
	[tilespmem:$0x1F000] =	vst v63  }
0x53: {  	_ =	swait.ge [sflag:s24], $0x4000  }
0x54: {  	[sflag:s24] =	ssyncset.done $0x0  }
0x55: {  	s0 =	simm.s32 $0x1800;
	[sflag:s24] =	ssyncadd.s32 $0xFFFFC000  }
0x56: {  	[spmem:s3] =	stream.indirect.scatter.add.f32 [tilespmem:s20], [sflag:$0x3], $0x80, s0, s22, $0xb8;
	[tilespmem:$0x1F000] =	vst v63  }
0x57: {  	_ =	swait.ge [sflag:s26], $0x4000  }
0x58: {  	[sflag:s26] =	ssyncset.done $0x0  }
0x59: {  	s4 =	simm.s32 $0x100;
	[sflag:s26] =	ssyncadd.s32 $0xFFFFC000  }
0x5a: {  	[tilespmem:s20], [sflag:$0x1] =	stream.indirect.gather [hbm4b:s1+s22], $0x80, s4, s22, $0xb8;
	[tilespmem:$0x1F000] =	vst v63  }
0x5b: {  	_ =	swait.ge [sflag:s28], $0x4000  }
0x5c: {  	p3 =	sne.s32 s10, $0x1;
	[sflag:s28] =	ssyncset.done $0x0  }
.Ltmp1:
0x5d: {  	s2 =	simm.s32 $0x1880;
	[sflag:s28] =	ssyncadd.s32 $0xFFFFC000;
	(pc) =	sbr.rel @!p3 .LBB2_5-.Ltmp1, $4  }
0x5e: {  	[spmem:s3] =	stream.indirect.scatter.add.f32 [tilespmem:s23], [sflag:$0x4], $0x80, s2, s22, $0xb8;
	[tilespmem:$0x1F000] =	vst v63  }
0x5f: {  	s31 =	simm.s32 $0x180;
	_ =	swait.ge [sflag:s29], $0x4000  }
0x60: {  	s6 =	sadd.s32 $0xFFFFFFFF, s10;
	s7 =	simm.s32 $0x280;
	[sflag:s29] =	ssyncset.done $0x0  }
0x61: {  	s8 =	simm.s32 $0x1980;
	s9 =	simm.s32 $0x180;
	[sflag:s29] =	ssyncadd.s32 $0xFFFFC000  }
.LBB2_4:
0x62: {  	[tilespmem:s23], [sflag:$0x2] =	stream.indirect.gather [hbm4b:s1+s22], $0x80, s9, s22, $0xb8;
	[tilespmem:$0x1F000] =	vst v63  }
0x63: {  	p4 =	sne.s32 s6, $0x1;
	s6 =	sadd.s32 $0xFFFFFFFF, s6;
	_ =	swait.ge [sflag:s24], $0x4000  }
0x64: {  	s9 =	smov.u32 s7;
	[sflag:s24] =	ssyncset.done $0x0  }
0x65: {  	s13 =	sadd.s32 $0xFFFFFF80, s8;
	[sflag:s24] =	ssyncadd.s32 $0xFFFFC000  }
0x66: {  	[spmem:s3] =	stream.indirect.scatter.add.f32 [tilespmem:s20], [sflag:$0x3], $0x80, s13, s22, $0xb8;
	[tilespmem:$0x1F000] =	vst v63  }
0x67: {  	_ =	swait.ge [sflag:s26], $0x4000  }
0x68: {  	[sflag:s26] =	ssyncset.done $0x0  }
0x69: {  	s13 =	sadd.s32 $0xFFFFFF80, s7;
	[sflag:s26] =	ssyncadd.s32 $0xFFFFC000  }
0x6a: {  	[tilespmem:s20], [sflag:$0x1] =	stream.indirect.gather [hbm4b:s1+s22], $0x80, s13, s22, $0xb8;
	[tilespmem:$0x1F000] =	vst v63  }
0x6b: {  	_ =	swait.ge [sflag:s28], $0x4000  }
0x6c: {  	[sflag:s28] =	ssyncset.done $0x0  }
.Ltmp2:
0x6d: {  	[sflag:s28] =	ssyncadd.s32 $0xFFFFC000;
	(pc) =	sbr.rel @p4 .LBB2_4-.Ltmp2, $4  }
0x6e: {  	[spmem:s3] =	stream.indirect.scatter.add.f32 [tilespmem:s23], [sflag:$0x4], $0x80, s8, s22, $0xb8;
	[tilespmem:$0x1F000] =	vst v63  }
0x6f: {  	_ =	swait.ge [sflag:s29], $0x4000  }
0x70: {  	[sflag:s29] =	ssyncset.done $0x0  }
0x71: {  	s7 =	sadd.s32 $0x100, s7;
	s8 =	sadd.s32 $0x100, s8;
	[sflag:s29] =	ssyncadd.s32 $0xFFFFC000  }
.LBB2_5:
0x72: {  	[tilespmem:s23], [sflag:$0x2] =	stream.indirect.gather [hbm4b:s1+s22], $0x80, s9, s22, $0xb8;
	[tilespmem:$0x1F000] =	vst v63  }
0x73: {  	_ =	swait.ge [sflag:s24], $0x4000  }
0x74: {  	[sflag:s24] =	ssyncset.done $0x0  }
0x75: {  	[sflag:s24] =	ssyncadd.s32 $0xFFFFC000  }
0x76: {  	[spmem:s3] =	stream.indirect.scatter.add.f32 [tilespmem:s20], [sflag:$0x3], $0x80, s11, s22, $0xb8;
	[tilespmem:$0x1F000] =	vst v63  }
0x77: {  	_ =	swait.ge [sflag:s28], $0x4000  }
0x78: {  	[sflag:s28] =	ssyncset.done $0x0  }
0x79: {  	[sflag:s28] =	ssyncadd.s32 $0xFFFFC000  }
0x7a: {  	[spmem:s3] =	stream.indirect.scatter.add.f32 [tilespmem:s23], [sflag:$0x4], $0x80, s12, s22, $0xb8;
	[tilespmem:$0x1F000] =	vst v63  }
0x7b: {  	_ =	swait.ge [sflag:s26], $0x4000  }
0x7c: {  	[sflag:s26] =	ssyncset.done $0x0  }
0x7d: {  	[sflag:s26] =	ssyncadd.s32 $0xFFFFC000  }
0x7e: {  	_ =	swait.ge [sflag:s29], $0x4000  }
0x7f: {  	[sflag:s29] =	ssyncset.done $0x0  }
0x80: {  	s6 =	simm.s32 @p0 $0x0;
	s7 =	simm.s32 @p0 $0x5;
	[sflag:s29] =	ssyncadd.s32 $0xFFFFC000  }
0x81: {  	[tilespmem:s6], [sflag:$0x5] =	stream.linear.gather @p0 [hbm4b:s18+s6], $0x1800, $0x38;
	[tilespmem:$0x1F000] =	vst v63  }
0x82: {  	_ =	swait.ge @p0 [sflag:s7], $0x1800  }
0x83: {  	[sflag:s7] =	ssyncset.done @p0 $0x0  }
0x84: {  	s8 =	simm.s32 @p0 $0x1800;
	[sflag:s7] =	ssyncadd.s32 @p0 $0xFFFFE800  }
0x85: {  	[tilespmem:s8], [sflag:$0x5] =	stream.linear.gather @p0 [hbm4b:s19+s6], $0x1800, $0x38;
	[tilespmem:$0x1F000] =	vst v63  }
0x86: {  	_ =	swait.ge @p0 [sflag:s7], $0x1800  }
0x87: {  	[sflag:s7] =	ssyncset.done @p0 $0x0  }
0x88: {  	s6 =	simm.s32 @!p0 $0x0;
	[sflag:s7] =	ssyncadd.s32 @p0 $0xFFFFE800;
	s7 =	simm.s32 @!p0 $0x5  }
0x89: {  	[tilespmem:s6], [sflag:$0x5] =	stream.linear.gather @!p0 [hbm4b:s18+s6], $0x1000, $0x38;
	[tilespmem:$0x1F000] =	vst v63  }
0x8a: {  	_ =	swait.ge @!p0 [sflag:s7], $0x1000  }
0x8b: {  	[sflag:s7] =	ssyncset.done @!p0 $0x0  }
0x8c: {  	s8 =	simm.s32 @!p0 $0x1800;
	[sflag:s7] =	ssyncadd.s32 @!p0 $0xFFFFF000  }
0x8d: {  	[tilespmem:s8], [sflag:$0x5] =	stream.linear.gather @!p0 [hbm4b:s19+s6], $0x1000, $0x38;
	[tilespmem:$0x1F000] =	vst v63  }
0x8e: {  	_ =	swait.ge @!p0 [sflag:s7], $0x1000  }
0x8f: {  	[sflag:s7] =	ssyncset.done @!p0 $0x0  }
0x90: {  	s13 =	simm.s32 $0x0;
	[sflag:s7] =	ssyncadd.s32 @!p0 $0xFFFFF000  }
0x91: {  	[tilespmem:s20], [sflag:$0x1] =	stream.indirect.gather [hbm4b:s1+s22], $0x80, s13, s22, $0xb8;
	[tilespmem:$0x1F000] =	vst v63  }
0x92: {  	_ = 	snop  }
0x93: {  	[tilespmem:s23], [sflag:$0x2] =	stream.indirect.gather [hbm4b:s1+s22], $0x80, s22, s22, $0xb8;
	[tilespmem:$0x1F000] =	vst v63  }
0x94: {  	_ =	swait.ge [sflag:s24], $0x4000  }
0x95: {  	[sflag:s24] =	ssyncset.done $0x0  }
0x96: {  	[sflag:s24] =	ssyncadd.s32 $0xFFFFC000  }
0x97: {  	[spmem:s3] =	stream.indirect.scatter.add.f32 [tilespmem:s20], [sflag:$0x3], $0x80, s0, s22, $0xb8;
	[tilespmem:$0x1F000] =	vst v63  }
0x98: {  	_ =	swait.ge [sflag:s26], $0x4000  }
0x99: {  	[sflag:s26] =	ssyncset.done $0x0  }
0x9a: {  	[sflag:s26] =	ssyncadd.s32 $0xFFFFC000  }
0x9b: {  	[tilespmem:s20], [sflag:$0x1] =	stream.indirect.gather [hbm4b:s1+s22], $0x80, s4, s22, $0xb8;
	[tilespmem:$0x1F000] =	vst v63  }
0x9c: {  	_ =	swait.ge [sflag:s28], $0x4000  }
0x9d: {  	[sflag:s28] =	ssyncset.done $0x0  }
.Ltmp3:
0x9e: {  	[sflag:s28] =	ssyncadd.s32 $0xFFFFC000;
	(pc) =	sbr.rel @!p3 .LBB2_7-.Ltmp3, $4  }
0x9f: {  	[spmem:s3] =	stream.indirect.scatter.add.f32 [tilespmem:s23], [sflag:$0x4], $0x80, s2, s22, $0xb8;
	[tilespmem:$0x1F000] =	vst v63  }
0xa0: {  	_ =	swait.ge [sflag:s29], $0x4000  }
0xa1: {  	s0 =	sadd.s32 $0xFFFFFFFF, s10;
	[sflag:s29] =	ssyncset.done $0x0  }
0xa2: {  	s4 =	simm.s32 $0x1980;
	s2 =	simm.s32 $0x280;
	[sflag:s29] =	ssyncadd.s32 $0xFFFFC000  }
.LBB2_6:
0xa3: {  	[tilespmem:s23], [sflag:$0x2] =	stream.indirect.gather [hbm4b:s1+s22], $0x80, s31, s22, $0xb8;
	[tilespmem:$0x1F000] =	vst v63  }
0xa4: {  	p3 =	sne.s32 s0, $0x1;
	s0 =	sadd.s32 $0xFFFFFFFF, s0;
	_ =	swait.ge [sflag:s24], $0x4000  }
0xa5: {  	s31 =	smov.u32 s2;
	[sflag:s24] =	ssyncset.done $0x0  }
0xa6: {  	s6 =	sadd.s32 $0xFFFFFF80, s4;
	[sflag:s24] =	ssyncadd.s32 $0xFFFFC000  }
0xa7: {  	[spmem:s3] =	stream.indirect.scatter.add.f32 [tilespmem:s20], [sflag:$0x3], $0x80, s6, s22, $0xb8;
	[tilespmem:$0x1F000] =	vst v63  }
0xa8: {  	_ =	swait.ge [sflag:s26], $0x4000  }
0xa9: {  	[sflag:s26] =	ssyncset.done $0x0  }
0xaa: {  	s6 =	sadd.s32 $0xFFFFFF80, s2;
	[sflag:s26] =	ssyncadd.s32 $0xFFFFC000  }
0xab: {  	[tilespmem:s20], [sflag:$0x1] =	stream.indirect.gather [hbm4b:s1+s22], $0x80, s6, s22, $0xb8;
	[tilespmem:$0x1F000] =	vst v63  }
0xac: {  	_ =	swait.ge [sflag:s28], $0x4000  }
0xad: {  	[sflag:s28] =	ssyncset.done $0x0  }
.Ltmp4:
0xae: {  	[sflag:s28] =	ssyncadd.s32 $0xFFFFC000;
	(pc) =	sbr.rel @p3 .LBB2_6-.Ltmp4, $4  }
0xaf: {  	[spmem:s3] =	stream.indirect.scatter.add.f32 [tilespmem:s23], [sflag:$0x4], $0x80, s4, s22, $0xb8;
	[tilespmem:$0x1F000] =	vst v63  }
0xb0: {  	_ =	swait.ge [sflag:s29], $0x4000  }
0xb1: {  	[sflag:s29] =	ssyncset.done $0x0  }
0xb2: {  	s2 =	sadd.s32 $0x100, s2;
	s4 =	sadd.s32 $0x100, s4;
	[sflag:s29] =	ssyncadd.s32 $0xFFFFC000  }
.LBB2_7:
0xb3: {  	[tilespmem:s23], [sflag:$0x2] =	stream.indirect.gather [hbm4b:s1+s22], $0x80, s31, s22, $0xb8;
	[tilespmem:$0x1F000] =	vst v63  }
0xb4: {  	_ =	swait.ge [sflag:s24], $0x4000  }
0xb5: {  	[sflag:s24] =	ssyncset.done $0x0  }
0xb6: {  	[sflag:s24] =	ssyncadd.s32 $0xFFFFC000  }
0xb7: {  	[spmem:s3] =	stream.indirect.scatter.add.f32 [tilespmem:s20], [sflag:$0x3], $0x80, s11, s22, $0xb8;
	[tilespmem:$0x1F000] =	vst v63  }
0xb8: {  	_ =	swait.ge [sflag:s28], $0x4000  }
0xb9: {  	[sflag:s28] =	ssyncset.done $0x0  }
0xba: {  	[sflag:s28] =	ssyncadd.s32 $0xFFFFC000  }
0xbb: {  	[spmem:s3] =	stream.indirect.scatter.add.f32 [tilespmem:s23], [sflag:$0x4], $0x80, s12, s22, $0xb8;
	[tilespmem:$0x1F000] =	vst v63  }
0xbc: {  	_ =	swait.ge [sflag:s26], $0x4000  }
0xbd: {  	[sflag:s26] =	ssyncset.done $0x0  }
0xbe: {  	[sflag:s26] =	ssyncadd.s32 $0xFFFFC000  }
0xbf: {  	_ =	swait.ge [sflag:s29], $0x4000  }
0xc0: {  	[sflag:s29] =	ssyncset.done $0x0  }
0xc1: {  	[sflag:s29] =	ssyncadd.s32 $0xFFFFC000  }
0xc2: {  	s0 =	simm.s32 @p2 $0x1FC5;
	[bflag:$0x0] =	sbarrier.arrive $0xFFFF  }
0xc3: {  	[hbm:s14], [sflag:s0] =	dma.local @p2 [spmem:s25], $0x1900  }
0xc4: {  	s2 =	stileid.u32;
	s0 =	simm.s32 @p2 $0x5  }
0xc5: {  	s30 =	sadd.s32 $0x1, s30;
	s2 =	sshll.u32 @!p2 s2, $0x6;
	_ =	swait.ge @p2 [sflag:s0], $0x1900  }
0xc6: {  	p3 =	sne.s32 s30, s15;
	[sflag:s0] =	ssyncset.done @p2 $0x0;
	s4 =	rddreg [dreg:$0x9]  }
0xc7: {  	[sflag:s0] =	ssyncadd.s32 @p2 $0xFFFFE700;
	s0 =	sor.u32 @!p2 $0x1C05, s2;
	s2 =	sshrl.u32 @!p2 s5, $0x3  }
0xc8: {  	[hbm:s4], [sflag:s0] =	dma.local @!p2 [spmem:s2], $0x2800  }
.Ltmp5:
0xc9: {  	_ = 	snop;
	(pc) =	sbr.rel @p3 .LBB2_1-.Ltmp5, $4  }
0xca: {  	s0 =	simm.s32 @!p2 $0x5  }
0xcb: {  	_ =	swait.ge @!p2 [sflag:s0], $0x2800  }
0xcc: {  	[sflag:s0] =	ssyncset.done @!p2 $0x0  }
0xcd: {  	[sflag:s0] =	ssyncadd.s32 @!p2 $0xFFFFD800  }
0xce: {  	_ =	sfence.sel $0x180000  }
0xcf: {  	[bflag:$0x0] =	sbarrier.arrive $0xFFFF  }
0xd0: {  	_ =	strace $0x90000047  }
0xd1: {  	s0 =	stileid.u32;
	[bflag:$0x2] =	sbarrier.arrive $0xFFFF  }
0xd2: {  	p0 =	sne.s32 s0, $0x0;
	s0 =	rddreg [dreg:$0x4]  }
0xd3: {  	s0 =	sadd.s32 @!p0 $0x100000, s0  }
0xd4: {  	[sflag:s0] =	ssyncadd.tile.s32 @!p0 $0x1;
	_ =	shalt  }
.Lfunc_end2:
_tile_overlayer_lowered:
.L_overlay_start_2:
0xd5: {  	(tag) =	ssettag $0x2  }
0xd6: {  	s0 =	rddreg [dreg:$0x0];
	s2 =	stileid.u32  }
0xd7: {  	s1 =	rddreg [dreg:$0x1];
	p0 =	sne.s32 s2, $0x0  }
0xd8: {  	s3 =	rddreg [dreg:$0x2];
	[bflag:$0x3] =	sbarrier.arrive $0xFFFF;
	s2 =	simm.s32 @!p0 $0x1C05  }
0xd9: {  	[timem:s3], [sflag:s2] =	dma.local @!p0 [hbm:s0], s1  }
0xda: {  	s0 =	simm.s32 @!p0 $0x5  }
0xdb: {  	_ =	swait.ge @!p0 [sflag:s0], s1  }
0xdc: {  	s1 =	ssub.s32 @!p0 $0x0, s1;
	[sflag:s0] =	ssyncset.done @!p0 $0x0  }
0xdd: {  	[sflag:s0] =	ssyncadd.s32 @!p0 s1  }
0xde: {  	[bflag:$0x3] =	sbarrier.arrive $0xFFFF  }
0xdf: {  	_ =	shalt  }

</sc_bundles>
